<compile_context>
chip_gen: v7x
topology: tpu7x:2x2x1
jax: 0.10.2.dev20260603
libtpu: 0.0.44.dev20260713+nightly
codegen_flags: <defaults>
</compile_context>

<pallas_src>
import jax
import jax.numpy as jnp
from jax import lax
from jax.experimental import pallas as pl
from jax.experimental.pallas import tpu as pltpu
from jax.experimental.pallas import tpu_sc as plsc

N_NODES = 512
N_EDGES = 262144
H = 32
DENSE = 128
NC = 2
NS = 16
NW = NC * NS
EPT = N_EDGES // NW
CHUNK = 128
NCHUNK = EPT // CHUNK
SEG = N_EDGES // NS
ZB = 2048
BD = 128
NBL = N_NODES // BD


def _sc_mask_body(e_hbm, out_hbm, src_v, dst_v, idx_v, ones_v, zeros_v,
                  mask_sh, sem):
    cid = lax.axis_index("c")
    sid = lax.axis_index("s")
    wid = cid * NS + sid
    base = wid * EPT

    pltpu.sync_copy(e_hbm.at[pl.ds(base, EPT)], src_v)
    pltpu.sync_copy(e_hbm.at[pl.ds(N_EDGES + base, EPT)], dst_v)

    for k in range(CHUNK // 16):
        ones_v[pl.ds(k * 16, 16)] = jnp.ones((16,), jnp.float32)

    def _fill_zeros(i, c):
        for k in range(8):
            zeros_v[pl.ds((i * 8 + k) * 16, 16)] = jnp.zeros((16,),
                                                             jnp.float32)
        return c

    lax.fori_loop(0, ZB // 128, _fill_zeros, 0)

    for k in range(SEG // ZB):
        pltpu.sync_copy(zeros_v, mask_sh.at[pl.ds(sid * SEG + k * ZB, ZB)])

    def _codes(j, c):
        for k in range(8):
            off = j * CHUNK + k * 16
            s = src_v[pl.ds(off, 16)]
            d = dst_v[pl.ds(off, 16)]
            dh = lax.shift_right_logical(d, 7)
            dl = jnp.bitwise_and(d, BD - 1)
            idx_v[j, pl.ds(k * 16, 16)] = (dh * (BD * N_NODES)
                                           + s * BD + dl)
        return c

    lax.fori_loop(0, NCHUNK, _codes, 0)
    plsc.subcore_barrier()

    def _scatter(g, c):
        sds = [pltpu.async_copy(ones_v, mask_sh.at[idx_v.at[g * 8 + k]], sem,
                                add=True)
               for k in range(8)]
        for sd in sds:
            sd.wait()
        return c

    lax.fori_loop(0, NCHUNK // 8, _scatter, 0)
    plsc.subcore_barrier()
    pltpu.sync_copy(mask_sh.at[pl.ds(sid * SEG, SEG)],
                    out_hbm.at[cid, pl.ds(sid * SEG, SEG)])


def _sc_mask(edge_index):
    mesh = plsc.VectorSubcoreMesh(core_axis_name="c", subcore_axis_name="s")
    return pl.kernel(
        _sc_mask_body,
        out_type=jax.ShapeDtypeStruct((NC, N_EDGES), jnp.float32),
        mesh=mesh,
        scratch_types=[
            pltpu.VMEM((EPT,), jnp.int32),
            pltpu.VMEM((EPT,), jnp.int32),
            pltpu.VMEM((NCHUNK, CHUNK), jnp.int32),
            pltpu.VMEM((CHUNK,), jnp.float32),
            pltpu.VMEM((ZB,), jnp.float32),
            pltpu.VMEM_SHARED((N_EDGES,), jnp.float32),
            pltpu.SemaphoreType.DMA,
        ],
    )(edge_index)


def _prep_layer(xt, wat, bat_ref, wbt_ref, d_in, at_s, btr_s, wbe_s):
    wdt = wat[:, :d_in] - wat[:, d_in:]
    at_s[...] = (jnp.dot(wdt, xt, preferred_element_type=jnp.float32)
                 + bat_ref[...])
    bt = jnp.dot(wat[:, d_in:], xt, preferred_element_type=jnp.float32)
    btr_s[...] = jnp.broadcast_to(bt[:, :, None],
                                  (H, N_NODES, BD)).reshape(H, N_NODES * BD)
    wbe_s[...] = jnp.concatenate(
        [wbt_ref[...], jnp.ones((H, 1), jnp.float32)], axis=1)


def _layer_step(i_loc, bbt_ref, cnt_s, at_s, btr_s, wbe_s, ht_s):
    a_t = at_s[:, pl.ds(i_loc * BD, BD)]
    pre2 = jnp.maximum(jnp.tile(a_t, (1, N_NODES)) + btr_s[...],
                       0.0)
    blk = BD * N_NODES
    pen = jnp.where(
        (cnt_s[pl.ds(0, 1), pl.ds(i_loc * blk, blk)]
         + cnt_s[pl.ds(1, 1), pl.ds(i_loc * blk, blk)])
        > 0.0, 0.0, -1e30)
    rhs = jnp.concatenate([pre2, pen], axis=0)
    r2 = jnp.dot(wbe_s[...], rhs, preferred_element_type=jnp.float32)
    m = r2
    for _ in range(9):
        half = m.shape[1] // 2
        m = jnp.maximum(m[:, :half], m[:, half:])
    ht_s[:, pl.ds(i_loc * BD, BD)] = jnp.maximum(m + bbt_ref[...], 0.0)


def _fused_body(xt_ref, w1_ref, b1_ref, w2_ref, b2_ref, w3_ref, b3_ref,
                w4_ref, b4_ref, wl_ref, bl_ref, wo_ref, bo_ref, cnt_ref,
                out_ref, at_s, btr_s, wbe_s, h1_s, h2_s, wlv_s, wl_sem):
    i = pl.program_id(0)

    @pl.when(i == 0)
    def _():
        pltpu.make_async_copy(wl_ref, wlv_s, wl_sem).start()
        _prep_layer(xt_ref[...], w1_ref[...], b1_ref, w2_ref,
                    xt_ref.shape[0], at_s, btr_s, wbe_s)

    @pl.when(i < NBL)
    def _():
        _layer_step(i, b2_ref, cnt_ref, at_s, btr_s, wbe_s, h1_s)

    @pl.when(i == NBL)
    def _():
        _prep_layer(h1_s[...], w3_ref[...], b3_ref, w4_ref, H, at_s, btr_s,
                    wbe_s)

    @pl.when(jnp.logical_and(i >= NBL, i < 2 * NBL))
    def _():
        _layer_step(i - NBL, b4_ref, cnt_ref, at_s, btr_s, wbe_s, h2_s)

    @pl.when(i == 2 * NBL)
    def _():
        pltpu.make_async_copy(wl_ref, wlv_s, wl_sem).wait()
        ht = h2_s[...]
        acc = bl_ref[...]
        for h in range(H):
            acc = acc + jnp.dot(ht[h][None], wlv_s[h],
                                preferred_element_type=jnp.float32)
        z1 = jnp.maximum(acc, 0.0)
        z2 = jnp.maximum(
            jnp.dot(z1, wo_ref[...], preferred_element_type=jnp.float32)
            + bo_ref[...], 0.0)
        mx = jnp.max(z2, axis=1, keepdims=True)
        e = jnp.exp(z2 - mx)
        out_ref[...] = e / jnp.sum(e, axis=1, keepdims=True)


def _fused(x, w1, b1, w2, b2, w3, b3, w4, b4, wl, bl, wo, bo, cnt):
    full = lambda shape: pl.BlockSpec(shape, lambda i: tuple(0 for _ in shape))
    return pl.pallas_call(
        _fused_body,
        grid=(2 * NBL + 1,),
        in_specs=[
            full((DENSE, N_NODES)),
            full((H, 2 * DENSE)), full((H, 1)),
            full((H, H)), full((H, 1)),
            full((H, 2 * H)), full((H, 1)),
            full((H, H)), full((H, 1)),
            pl.BlockSpec(memory_space=pl.ANY), full((1, DENSE)),
            full((DENSE, N_NODES)), full((1, N_NODES)),
            full((NC, N_EDGES)),
        ],
        out_specs=full((1, N_NODES)),
        out_shape=jax.ShapeDtypeStruct((1, N_NODES), jnp.float32),
        scratch_shapes=[
            pltpu.VMEM((H, N_NODES), jnp.float32),
            pltpu.VMEM((H, N_NODES * BD), jnp.float32),
            pltpu.VMEM((H, H + 1), jnp.float32),
            pltpu.VMEM((H, N_NODES), jnp.float32),
            pltpu.VMEM((H, N_NODES), jnp.float32),
            pltpu.VMEM((H, N_NODES, DENSE), jnp.float32),
            pltpu.SemaphoreType.DMA,
        ],
    )(x.T, w1.T, b1.reshape(H, 1), w2.T, b2.reshape(H, 1),
      w3.T, b3.reshape(H, 1), w4.T, b4.reshape(H, 1),
      wl.reshape(N_NODES, H, DENSE).transpose(1, 0, 2),
      bl.reshape(1, DENSE), wo, bo.reshape(1, N_NODES), cnt)


def kernel(x, edge_index, W1, b1, W2, b2, W3, b3, W4, b4, Wl, bl, Wo, bo):
    cnt = _sc_mask(edge_index.reshape(2 * N_EDGES))
    out = _fused(x, W1, b1, W2, b2, W3, b3, W4, b4, Wl, bl, Wo, bo, cnt)
    return out.reshape(N_NODES)

# --- scband reference (transcript-rebuilt; emitter-appended) ---
"""Pipeline reference for scband-simple-mpgnn-41875931136489 (READ-ONLY COPY).

The authoritative reference and input builder live on the scoring server;
editing this copy changes nothing except your own understanding.
"""

import jax, jax.numpy as jnp
import numpy as np

N_NODES = 512
N_EDGES = 262144
D_IN = 128
H = 32
DENSE = 128
N_ACT = 512


def _linp(k, fi, fo):
    kw, kb = jax.random.split(k)
    W = jax.random.uniform(kw, (fi, fo), jnp.float32, -1.0, 1.0) / np.sqrt(fi)
    b = jax.random.uniform(kb, (fo,), jnp.float32, -1.0, 1.0) / np.sqrt(fi)
    return W, b


def setup_inputs(seed: int = 0):
    key = jax.random.key(seed)
    ks = jax.random.split(key, 8)
    x = jax.random.normal(ks[0], (N_NODES, D_IN), dtype=jnp.float32)
    edge_index = jax.random.randint(ks[1], (2, N_EDGES), 0, N_NODES, dtype=jnp.int32)
    W1, b1 = _linp(ks[2], 2 * D_IN, H)
    W2, b2 = _linp(ks[3], H, H)
    W3, b3 = _linp(ks[4], 2 * H, H)
    W4, b4 = _linp(ks[5], H, H)
    Wl, bl = _linp(ks[6], N_ACT * H, DENSE)
    Wo, bo = _linp(ks[7], DENSE, N_ACT)
    return {"x": x, "edge_index": edge_index, "W1": W1, "b1": b1, "W2": W2, "b2": b2,
            "W3": W3, "b3": b3, "W4": W4, "b4": b4, "Wl": Wl, "bl": bl, "Wo": Wo, "bo": bo}


def _edge_conv(x, edge_index, Wa, ba, Wb, bb):
    # PyG EdgeConv with aggr='max': message = mlp(cat[x_i, x_j - x_i]), max-aggregated at dst
    src = edge_index[0]
    dst = edge_index[1]
    x_i = x[dst]
    x_j = x[src]
    tmp = jnp.concatenate([x_i, x_j - x_i], axis=1)
    m = jnp.maximum(tmp @ Wa + ba, 0.0) @ Wb + bb
    out = jax.ops.segment_max(m, dst, num_segments=x.shape[0])
    out = jnp.where(jnp.isneginf(out), 0.0, out)  # PyG fills isolated nodes with 0
    return out


def reference(x, edge_index, W1, b1, W2, b2, W3, b3, W4, b4, Wl, bl, Wo, bo):
    h = jnp.maximum(_edge_conv(x, edge_index, W1, b1, W2, b2), 0.0)
    h = jnp.maximum(_edge_conv(h, edge_index, W3, b3, W4, b4), 0.0)
    h = h.reshape(-1)  # torch.flatten(x) -> [N_ACT * H]
    # F.dropout is identity in eval mode
    h = jnp.maximum(h @ Wl + bl, 0.0)
    h = jnp.maximum(h @ Wo + bo, 0.0)
    return jax.nn.softmax(h, axis=0)

if __name__ == "__main__":
    import jax
    _d = setup_inputs()
    print(jax.jit(kernel)(*tuple(_d.values())))

</pallas_src>

<mosaic_0001>
#map = affine_map<(d0, d1) -> (0)>
#map1 = affine_map<(d0, d1) -> (0, 0)>
module attributes {stable_mosaic.version = 14 : i64} {
  func.func @_sc_mask_body(%arg0: i32, %arg1: i32, %arg2: memref<524288xi32, #tpu.memory_space<hbm>>, %arg3: memref<2x262144xf32, #tpu.memory_space<hbm>>, %arg4: memref<8192xi32, #tpu.memory_space<vmem>>, %arg5: memref<8192xi32, #tpu.memory_space<vmem>>, %arg6: memref<64x128xi32, #tpu.memory_space<vmem>>, %arg7: memref<128xf32, #tpu.memory_space<vmem>>, %arg8: memref<2048xf32, #tpu.memory_space<vmem>>, %arg9: memref<262144xf32, #tpu.memory_space<vmem_shared>>, %arg10: memref<!tpu.dma_semaphore, #tpu.memory_space<semaphore_mem>>) attributes {dimension_semantics = [#tpu.dimension_semantics<core_parallel>, #tpu.dimension_semantics<subcore_parallel>], iteration_bounds = array<i64: 2, 16>, scalar_prefetch = 0 : i64, scratch_operands = 7 : i64, tpu.core_type = #tpu.core_type<sc_vector_subcore>, window_params = [{transform_indices = #map}, {transform_indices = #map1}]} {
    %mul3A = arith.constant 16 : i32
    %mul3A_0 = arith.muli %arg0, %mul3A : i32
    %add3A = arith.addi %mul3A_0, %arg1 : i32
    %mul3A_1 = arith.constant 8192 : i32
    %mul3A_2 = arith.muli %add3A, %mul3A_1 : i32
    "tpu.region"() ({
      %run_scoped3A = tpu.sem_alloc : memref<!tpu.dma_semaphore, #tpu.memory_space<semaphore_mem>>
      %dma_start3A = tpu.memref_slice %arg2[%mul3A_2] : memref<524288xi32, #tpu.memory_space<hbm>> -> memref<8192xi32, #tpu.memory_space<hbm>>
      %dma_start3A_105 = tpu.memref_slice %arg2[%mul3A_2] : memref<524288xi32, #tpu.memory_space<hbm>> -> memref<8192xi32, #tpu.memory_space<hbm>>
      tpu.enqueue_dma source(%dma_start3A_105 : memref<8192xi32, #tpu.memory_space<hbm>>) target(%arg4 : memref<8192xi32, #tpu.memory_space<vmem>>) target_semaphore(%run_scoped3A : memref<!tpu.dma_semaphore, #tpu.memory_space<semaphore_mem>>)
      %dma_wait3A = tpu.memref_slice %arg2[%mul3A_2] : memref<524288xi32, #tpu.memory_space<hbm>> -> memref<8192xi32, #tpu.memory_space<hbm>>
      %dma_wait3A_106 = tpu.memref_slice %arg2[%mul3A_2] : memref<524288xi32, #tpu.memory_space<hbm>> -> memref<8192xi32, #tpu.memory_space<hbm>>
      tpu.wait_dma2 semaphore(%run_scoped3A : memref<!tpu.dma_semaphore, #tpu.memory_space<semaphore_mem>>) src(%dma_wait3A_106 : memref<8192xi32, #tpu.memory_space<hbm>>) dst(%arg4 : memref<8192xi32, #tpu.memory_space<vmem>>)
      tpu.yield
    }) : () -> ()
    %add3A_3 = arith.constant 262144 : i32
    %add3A_4 = arith.addi %add3A_3, %mul3A_2 : i32
    "tpu.region"() ({
      %run_scoped3A = tpu.sem_alloc : memref<!tpu.dma_semaphore, #tpu.memory_space<semaphore_mem>>
      %dma_start3A = tpu.memref_slice %arg2[%add3A_4] : memref<524288xi32, #tpu.memory_space<hbm>> -> memref<8192xi32, #tpu.memory_space<hbm>>
      %dma_start3A_105 = tpu.memref_slice %arg2[%add3A_4] : memref<524288xi32, #tpu.memory_space<hbm>> -> memref<8192xi32, #tpu.memory_space<hbm>>
      tpu.enqueue_dma source(%dma_start3A_105 : memref<8192xi32, #tpu.memory_space<hbm>>) target(%arg5 : memref<8192xi32, #tpu.memory_space<vmem>>) target_semaphore(%run_scoped3A : memref<!tpu.dma_semaphore, #tpu.memory_space<semaphore_mem>>)
      %dma_wait3A = tpu.memref_slice %arg2[%add3A_4] : memref<524288xi32, #tpu.memory_space<hbm>> -> memref<8192xi32, #tpu.memory_space<hbm>>
      %dma_wait3A_106 = tpu.memref_slice %arg2[%add3A_4] : memref<524288xi32, #tpu.memory_space<hbm>> -> memref<8192xi32, #tpu.memory_space<hbm>>
      tpu.wait_dma2 semaphore(%run_scoped3A : memref<!tpu.dma_semaphore, #tpu.memory_space<semaphore_mem>>) src(%dma_wait3A_106 : memref<8192xi32, #tpu.memory_space<hbm>>) dst(%arg5 : memref<8192xi32, #tpu.memory_space<vmem>>)
      tpu.yield
    }) : () -> ()
    %broadcast_in_dim3A = arith.constant 1.000000e+00 : f32
    %broadcast_in_dim3A_5 = vector.broadcast %broadcast_in_dim3A : f32 to vector<16xf32>
    %swap3A = arith.constant 0 : index
    %swap3A_6 = tpu.vector_load %arg7[%swap3A] {strides = array<i32>} : memref<128xf32, #tpu.memory_space<vmem>>, vector<16xf32>,
    %swap3A_7 = vector.shape_cast %swap3A_6 : vector<16xf32> to vector<16xf32>
    %swap3A_8 = vector.shape_cast %broadcast_in_dim3A_5 : vector<16xf32> to vector<16xf32>
    tpu.vector_store %arg7[%swap3A], %swap3A_8 {strides = array<i32>} : memref<128xf32, #tpu.memory_space<vmem>>, vector<16xf32>,
    %broadcast_in_dim3A_9 = arith.constant 1.000000e+00 : f32
    %broadcast_in_dim3A_10 = vector.broadcast %broadcast_in_dim3A_9 : f32 to vector<16xf32>
    %swap3A_11 = arith.constant 16 : index
    %swap3A_12 = tpu.vector_load %arg7[%swap3A_11] {strides = array<i32>} : memref<128xf32, #tpu.memory_space<vmem>>, vector<16xf32>,
    %swap3A_13 = vector.shape_cast %swap3A_12 : vector<16xf32> to vector<16xf32>
    %swap3A_14 = vector.shape_cast %broadcast_in_dim3A_10 : vector<16xf32> to vector<16xf32>
    tpu.vector_store %arg7[%swap3A_11], %swap3A_14 {strides = array<i32>} : memref<128xf32, #tpu.memory_space<vmem>>, vector<16xf32>,
    %broadcast_in_dim3A_15 = arith.constant 1.000000e+00 : f32
    %broadcast_in_dim3A_16 = vector.broadcast %broadcast_in_dim3A_15 : f32 to vector<16xf32>
    %swap3A_17 = arith.constant 32 : index
    %swap3A_18 = tpu.vector_load %arg7[%swap3A_17] {strides = array<i32>} : memref<128xf32, #tpu.memory_space<vmem>>, vector<16xf32>,
    %swap3A_19 = vector.shape_cast %swap3A_18 : vector<16xf32> to vector<16xf32>
    %swap3A_20 = vector.shape_cast %broadcast_in_dim3A_16 : vector<16xf32> to vector<16xf32>
    tpu.vector_store %arg7[%swap3A_17], %swap3A_20 {strides = array<i32>} : memref<128xf32, #tpu.memory_space<vmem>>, vector<16xf32>,
    %broadcast_in_dim3A_21 = arith.constant 1.000000e+00 : f32
    %broadcast_in_dim3A_22 = vector.broadcast %broadcast_in_dim3A_21 : f32 to vector<16xf32>
    %swap3A_23 = arith.constant 48 : index
    %swap3A_24 = tpu.vector_load %arg7[%swap3A_23] {strides = array<i32>} : memref<128xf32, #tpu.memory_space<vmem>>, vector<16xf32>,
    %swap3A_25 = vector.shape_cast %swap3A_24 : vector<16xf32> to vector<16xf32>
    %swap3A_26 = vector.shape_cast %broadcast_in_dim3A_22 : vector<16xf32> to vector<16xf32>
    tpu.vector_store %arg7[%swap3A_23], %swap3A_26 {strides = array<i32>} : memref<128xf32, #tpu.memory_space<vmem>>, vector<16xf32>,
    %broadcast_in_dim3A_27 = arith.constant 1.000000e+00 : f32
    %broadcast_in_dim3A_28 = vector.broadcast %broadcast_in_dim3A_27 : f32 to vector<16xf32>
    %swap3A_29 = arith.constant 64 : index
    %swap3A_30 = tpu.vector_load %arg7[%swap3A_29] {strides = array<i32>} : memref<128xf32, #tpu.memory_space<vmem>>, vector<16xf32>,
    %swap3A_31 = vector.shape_cast %swap3A_30 : vector<16xf32> to vector<16xf32>
    %swap3A_32 = vector.shape_cast %broadcast_in_dim3A_28 : vector<16xf32> to vector<16xf32>
    tpu.vector_store %arg7[%swap3A_29], %swap3A_32 {strides = array<i32>} : memref<128xf32, #tpu.memory_space<vmem>>, vector<16xf32>,
    %broadcast_in_dim3A_33 = arith.constant 1.000000e+00 : f32
    %broadcast_in_dim3A_34 = vector.broadcast %broadcast_in_dim3A_33 : f32 to vector<16xf32>
    %swap3A_35 = arith.constant 80 : index
    %swap3A_36 = tpu.vector_load %arg7[%swap3A_35] {strides = array<i32>} : memref<128xf32, #tpu.memory_space<vmem>>, vector<16xf32>,
    %swap3A_37 = vector.shape_cast %swap3A_36 : vector<16xf32> to vector<16xf32>
    %swap3A_38 = vector.shape_cast %broadcast_in_dim3A_34 : vector<16xf32> to vector<16xf32>
    tpu.vector_store %arg7[%swap3A_35], %swap3A_38 {strides = array<i32>} : memref<128xf32, #tpu.memory_space<vmem>>, vector<16xf32>,
    %broadcast_in_dim3A_39 = arith.constant 1.000000e+00 : f32
    %broadcast_in_dim3A_40 = vector.broadcast %broadcast_in_dim3A_39 : f32 to vector<16xf32>
    %swap3A_41 = arith.constant 96 : index
    %swap3A_42 = tpu.vector_load %arg7[%swap3A_41] {strides = array<i32>} : memref<128xf32, #tpu.memory_space<vmem>>, vector<16xf32>,
    %swap3A_43 = vector.shape_cast %swap3A_42 : vector<16xf32> to vector<16xf32>
    %swap3A_44 = vector.shape_cast %broadcast_in_dim3A_40 : vector<16xf32> to vector<16xf32>
    tpu.vector_store %arg7[%swap3A_41], %swap3A_44 {strides = array<i32>} : memref<128xf32, #tpu.memory_space<vmem>>, vector<16xf32>,
    %broadcast_in_dim3A_45 = arith.constant 1.000000e+00 : f32
    %broadcast_in_dim3A_46 = vector.broadcast %broadcast_in_dim3A_45 : f32 to vector<16xf32>
    %swap3A_47 = arith.constant 112 : index
    %swap3A_48 = tpu.vector_load %arg7[%swap3A_47] {strides = array<i32>} : memref<128xf32, #tpu.memory_space<vmem>>, vector<16xf32>,
    %swap3A_49 = vector.shape_cast %swap3A_48 : vector<16xf32> to vector<16xf32>
    %swap3A_50 = vector.shape_cast %broadcast_in_dim3A_46 : vector<16xf32> to vector<16xf32>
    tpu.vector_store %arg7[%swap3A_47], %swap3A_50 {strides = array<i32>} : memref<128xf32, #tpu.memory_space<vmem>>, vector<16xf32>,
    %scan3A = arith.constant 0 : i32
    %scan3A_51 = arith.constant 0 : i32
    %scan3A_52 = arith.constant 16 : i32
    %scan3A_53 = arith.addi %scan3A_51, %scan3A_52 : i32
    %scan3A_54 = arith.constant 1 : i32
    scf.for %scan3A_105 = %scan3A_51 to %scan3A_53 step %scan3A_54  : i32 {
      %broadcast_in_dim3A_106 = arith.constant 0.000000e+00 : f32
      %broadcast_in_dim3A_107 = vector.broadcast %broadcast_in_dim3A_106 : f32 to vector<16xf32>
      %mul3A_108 = arith.constant 8 : i32
      %mul3A_109 = arith.muli %scan3A_105, %mul3A_108 : i32
      %add3A_110 = arith.constant 0 : i32
      %add3A_111 = arith.addi %mul3A_109, %add3A_110 : i32
      %mul3A_112 = arith.constant 16 : i32
      %mul3A_113 = arith.muli %add3A_111, %mul3A_112 : i32
      %swap3A_114 = arith.index_cast %mul3A_113 : i32 to index
      %swap3A_115 = tpu.vector_load %arg8[%swap3A_114] {strides = array<i32>} : memref<2048xf32, #tpu.memory_space<vmem>>, vector<16xf32>,
      %swap3A_116 = vector.shape_cast %swap3A_115 : vector<16xf32> to vector<16xf32>
      %swap3A_117 = vector.shape_cast %broadcast_in_dim3A_107 : vector<16xf32> to vector<16xf32>
      tpu.vector_store %arg8[%swap3A_114], %swap3A_117 {strides = array<i32>} : memref<2048xf32, #tpu.memory_space<vmem>>, vector<16xf32>,
      %broadcast_in_dim3A_118 = arith.constant 0.000000e+00 : f32
      %broadcast_in_dim3A_119 = vector.broadcast %broadcast_in_dim3A_118 : f32 to vector<16xf32>
      %mul3A_120 = arith.constant 8 : i32
      %mul3A_121 = arith.muli %scan3A_105, %mul3A_120 : i32
      %add3A_122 = arith.constant 1 : i32
      %add3A_123 = arith.addi %mul3A_121, %add3A_122 : i32
      %mul3A_124 = arith.constant 16 : i32
      %mul3A_125 = arith.muli %add3A_123, %mul3A_124 : i32
      %swap3A_126 = arith.index_cast %mul3A_125 : i32 to index
      %swap3A_127 = tpu.vector_load %arg8[%swap3A_126] {strides = array<i32>} : memref<2048xf32, #tpu.memory_space<vmem>>, vector<16xf32>,
      %swap3A_128 = vector.shape_cast %swap3A_127 : vector<16xf32> to vector<16xf32>
      %swap3A_129 = vector.shape_cast %broadcast_in_dim3A_119 : vector<16xf32> to vector<16xf32>
      tpu.vector_store %arg8[%swap3A_126], %swap3A_129 {strides = array<i32>} : memref<2048xf32, #tpu.memory_space<vmem>>, vector<16xf32>,
      %broadcast_in_dim3A_130 = arith.constant 0.000000e+00 : f32
      %broadcast_in_dim3A_131 = vector.broadcast %broadcast_in_dim3A_130 : f32 to vector<16xf32>
      %mul3A_132 = arith.constant 8 : i32
      %mul3A_133 = arith.muli %scan3A_105, %mul3A_132 : i32
      %add3A_134 = arith.constant 2 : i32
      %add3A_135 = arith.addi %mul3A_133, %add3A_134 : i32
      %mul3A_136 = arith.constant 16 : i32
      %mul3A_137 = arith.muli %add3A_135, %mul3A_136 : i32
      %swap3A_138 = arith.index_cast %mul3A_137 : i32 to index
      %swap3A_139 = tpu.vector_load %arg8[%swap3A_138] {strides = array<i32>} : memref<2048xf32, #tpu.memory_space<vmem>>, vector<16xf32>,
      %swap3A_140 = vector.shape_cast %swap3A_139 : vector<16xf32> to vector<16xf32>
      %swap3A_141 = vector.shape_cast %broadcast_in_dim3A_131 : vector<16xf32> to vector<16xf32>
      tpu.vector_store %arg8[%swap3A_138], %swap3A_141 {strides = array<i32>} : memref<2048xf32, #tpu.memory_space<vmem>>, vector<16xf32>,
      %broadcast_in_dim3A_142 = arith.constant 0.000000e+00 : f32
      %broadcast_in_dim3A_143 = vector.broadcast %broadcast_in_dim3A_142 : f32 to vector<16xf32>
      %mul3A_144 = arith.constant 8 : i32
      %mul3A_145 = arith.muli %scan3A_105, %mul3A_144 : i32
      %add3A_146 = arith.constant 3 : i32
      %add3A_147 = arith.addi %mul3A_145, %add3A_146 : i32
      %mul3A_148 = arith.constant 16 : i32
      %mul3A_149 = arith.muli %add3A_147, %mul3A_148 : i32
      %swap3A_150 = arith.index_cast %mul3A_149 : i32 to index
      %swap3A_151 = tpu.vector_load %arg8[%swap3A_150] {strides = array<i32>} : memref<2048xf32, #tpu.memory_space<vmem>>, vector<16xf32>,
      %swap3A_152 = vector.shape_cast %swap3A_151 : vector<16xf32> to vector<16xf32>
      %swap3A_153 = vector.shape_cast %broadcast_in_dim3A_143 : vector<16xf32> to vector<16xf32>
      tpu.vector_store %arg8[%swap3A_150], %swap3A_153 {strides = array<i32>} : memref<2048xf32, #tpu.memory_space<vmem>>, vector<16xf32>,
      %broadcast_in_dim3A_154 = arith.constant 0.000000e+00 : f32
      %broadcast_in_dim3A_155 = vector.broadcast %broadcast_in_dim3A_154 : f32 to vector<16xf32>
      %mul3A_156 = arith.constant 8 : i32
      %mul3A_157 = arith.muli %scan3A_105, %mul3A_156 : i32
      %add3A_158 = arith.constant 4 : i32
      %add3A_159 = arith.addi %mul3A_157, %add3A_158 : i32
      %mul3A_160 = arith.constant 16 : i32
      %mul3A_161 = arith.muli %add3A_159, %mul3A_160 : i32
      %swap3A_162 = arith.index_cast %mul3A_161 : i32 to index
      %swap3A_163 = tpu.vector_load %arg8[%swap3A_162] {strides = array<i32>} : memref<2048xf32, #tpu.memory_space<vmem>>, vector<16xf32>,
      %swap3A_164 = vector.shape_cast %swap3A_163 : vector<16xf32> to vector<16xf32>
      %swap3A_165 = vector.shape_cast %broadcast_in_dim3A_155 : vector<16xf32> to vector<16xf32>
      tpu.vector_store %arg8[%swap3A_162], %swap3A_165 {strides = array<i32>} : memref<2048xf32, #tpu.memory_space<vmem>>, vector<16xf32>,
      %broadcast_in_dim3A_166 = arith.constant 0.000000e+00 : f32
      %broadcast_in_dim3A_167 = vector.broadcast %broadcast_in_dim3A_166 : f32 to vector<16xf32>
      %mul3A_168 = arith.constant 8 : i32
      %mul3A_169 = arith.muli %scan3A_105, %mul3A_168 : i32
      %add3A_170 = arith.constant 5 : i32
      %add3A_171 = arith.addi %mul3A_169, %add3A_170 : i32
      %mul3A_172 = arith.constant 16 : i32
      %mul3A_173 = arith.muli %add3A_171, %mul3A_172 : i32
      %swap3A_174 = arith.index_cast %mul3A_173 : i32 to index
      %swap3A_175 = tpu.vector_load %arg8[%swap3A_174] {strides = array<i32>} : memref<2048xf32, #tpu.memory_space<vmem>>, vector<16xf32>,
      %swap3A_176 = vector.shape_cast %swap3A_175 : vector<16xf32> to vector<16xf32>
      %swap3A_177 = vector.shape_cast %broadcast_in_dim3A_167 : vector<16xf32> to vector<16xf32>
      tpu.vector_store %arg8[%swap3A_174], %swap3A_177 {strides = array<i32>} : memref<2048xf32, #tpu.memory_space<vmem>>, vector<16xf32>,
      %broadcast_in_dim3A_178 = arith.constant 0.000000e+00 : f32
      %broadcast_in_dim3A_179 = vector.broadcast %broadcast_in_dim3A_178 : f32 to vector<16xf32>
      %mul3A_180 = arith.constant 8 : i32
      %mul3A_181 = arith.muli %scan3A_105, %mul3A_180 : i32
      %add3A_182 = arith.constant 6 : i32
      %add3A_183 = arith.addi %mul3A_181, %add3A_182 : i32
      %mul3A_184 = arith.constant 16 : i32
      %mul3A_185 = arith.muli %add3A_183, %mul3A_184 : i32
      %swap3A_186 = arith.index_cast %mul3A_185 : i32 to index
      %swap3A_187 = tpu.vector_load %arg8[%swap3A_186] {strides = array<i32>} : memref<2048xf32, #tpu.memory_space<vmem>>, vector<16xf32>,
      %swap3A_188 = vector.shape_cast %swap3A_187 : vector<16xf32> to vector<16xf32>
      %swap3A_189 = vector.shape_cast %broadcast_in_dim3A_179 : vector<16xf32> to vector<16xf32>
      tpu.vector_store %arg8[%swap3A_186], %swap3A_189 {strides = array<i32>} : memref<2048xf32, #tpu.memory_space<vmem>>, vector<16xf32>,
      %broadcast_in_dim3A_190 = arith.constant 0.000000e+00 : f32
      %broadcast_in_dim3A_191 = vector.broadcast %broadcast_in_dim3A_190 : f32 to vector<16xf32>
      %mul3A_192 = arith.constant 8 : i32
      %mul3A_193 = arith.muli %scan3A_105, %mul3A_192 : i32
      %add3A_194 = arith.constant 7 : i32
      %add3A_195 = arith.addi %mul3A_193, %add3A_194 : i32
      %mul3A_196 = arith.constant 16 : i32
      %mul3A_197 = arith.muli %add3A_195, %mul3A_196 : i32
      %swap3A_198 = arith.index_cast %mul3A_197 : i32 to index
      %swap3A_199 = tpu.vector_load %arg8[%swap3A_198] {strides = array<i32>} : memref<2048xf32, #tpu.memory_space<vmem>>, vector<16xf32>,
      %swap3A_200 = vector.shape_cast %swap3A_199 : vector<16xf32> to vector<16xf32>
      %swap3A_201 = vector.shape_cast %broadcast_in_dim3A_191 : vector<16xf32> to vector<16xf32>
      tpu.vector_store %arg8[%swap3A_198], %swap3A_201 {strides = array<i32>} : memref<2048xf32, #tpu.memory_space<vmem>>, vector<16xf32>,
    }
    %scan3A_55 = arith.constant 16 : i32
    %mul3A_56 = arith.constant 16384 : i32
    %mul3A_57 = arith.muli %arg1, %mul3A_56 : i32
    %add3A_58 = arith.constant 0 : i32
    %add3A_59 = arith.addi %mul3A_57, %add3A_58 : i32
    "tpu.region"() ({
      %run_scoped3A = tpu.sem_alloc : memref<!tpu.dma_semaphore, #tpu.memory_space<semaphore_mem>>
      %dma_start3A = tpu.memref_slice %arg9[%add3A_59] : memref<262144xf32, #tpu.memory_space<vmem_shared>> -> memref<2048xf32, #tpu.memory_space<vmem_shared>>
      %dma_start3A_105 = tpu.memref_slice %arg9[%add3A_59] : memref<262144xf32, #tpu.memory_space<vmem_shared>> -> memref<2048xf32, #tpu.memory_space<vmem_shared>>
      tpu.enqueue_dma source(%arg8 : memref<2048xf32, #tpu.memory_space<vmem>>) target(%dma_start3A_105 : memref<2048xf32, #tpu.memory_space<vmem_shared>>) target_semaphore(%run_scoped3A : memref<!tpu.dma_semaphore, #tpu.memory_space<semaphore_mem>>)
      %dma_wait3A = tpu.memref_slice %arg9[%add3A_59] : memref<262144xf32, #tpu.memory_space<vmem_shared>> -> memref<2048xf32, #tpu.memory_space<vmem_shared>>
      %dma_wait3A_106 = tpu.memref_slice %arg9[%add3A_59] : memref<262144xf32, #tpu.memory_space<vmem_shared>> -> memref<2048xf32, #tpu.memory_space<vmem_shared>>
      tpu.wait_dma2 semaphore(%run_scoped3A : memref<!tpu.dma_semaphore, #tpu.memory_space<semaphore_mem>>) src(%arg8 : memref<2048xf32, #tpu.memory_space<vmem>>) dst(%dma_wait3A_106 : memref<2048xf32, #tpu.memory_space<vmem_shared>>)
      tpu.yield
    }) : () -> ()
    %mul3A_60 = arith.constant 16384 : i32
    %mul3A_61 = arith.muli %arg1, %mul3A_60 : i32
    %add3A_62 = arith.constant 2048 : i32
    %add3A_63 = arith.addi %mul3A_61, %add3A_62 : i32
    "tpu.region"() ({
      %run_scoped3A = tpu.sem_alloc : memref<!tpu.dma_semaphore, #tpu.memory_space<semaphore_mem>>
      %dma_start3A = tpu.memref_slice %arg9[%add3A_63] : memref<262144xf32, #tpu.memory_space<vmem_shared>> -> memref<2048xf32, #tpu.memory_space<vmem_shared>>
      %dma_start3A_105 = tpu.memref_slice %arg9[%add3A_63] : memref<262144xf32, #tpu.memory_space<vmem_shared>> -> memref<2048xf32, #tpu.memory_space<vmem_shared>>
      tpu.enqueue_dma source(%arg8 : memref<2048xf32, #tpu.memory_space<vmem>>) target(%dma_start3A_105 : memref<2048xf32, #tpu.memory_space<vmem_shared>>) target_semaphore(%run_scoped3A : memref<!tpu.dma_semaphore, #tpu.memory_space<semaphore_mem>>)
      %dma_wait3A = tpu.memref_slice %arg9[%add3A_63] : memref<262144xf32, #tpu.memory_space<vmem_shared>> -> memref<2048xf32, #tpu.memory_space<vmem_shared>>
      %dma_wait3A_106 = tpu.memref_slice %arg9[%add3A_63] : memref<262144xf32, #tpu.memory_space<vmem_shared>> -> memref<2048xf32, #tpu.memory_space<vmem_shared>>
      tpu.wait_dma2 semaphore(%run_scoped3A : memref<!tpu.dma_semaphore, #tpu.memory_space<semaphore_mem>>) src(%arg8 : memref<2048xf32, #tpu.memory_space<vmem>>) dst(%dma_wait3A_106 : memref<2048xf32, #tpu.memory_space<vmem_shared>>)
      tpu.yield
    }) : () -> ()
    %mul3A_64 = arith.constant 16384 : i32
    %mul3A_65 = arith.muli %arg1, %mul3A_64 : i32
    %add3A_66 = arith.constant 4096 : i32
    %add3A_67 = arith.addi %mul3A_65, %add3A_66 : i32
    "tpu.region"() ({
      %run_scoped3A = tpu.sem_alloc : memref<!tpu.dma_semaphore, #tpu.memory_space<semaphore_mem>>
      %dma_start3A = tpu.memref_slice %arg9[%add3A_67] : memref<262144xf32, #tpu.memory_space<vmem_shared>> -> memref<2048xf32, #tpu.memory_space<vmem_shared>>
      %dma_start3A_105 = tpu.memref_slice %arg9[%add3A_67] : memref<262144xf32, #tpu.memory_space<vmem_shared>> -> memref<2048xf32, #tpu.memory_space<vmem_shared>>
      tpu.enqueue_dma source(%arg8 : memref<2048xf32, #tpu.memory_space<vmem>>) target(%dma_start3A_105 : memref<2048xf32, #tpu.memory_space<vmem_shared>>) target_semaphore(%run_scoped3A : memref<!tpu.dma_semaphore, #tpu.memory_space<semaphore_mem>>)
      %dma_wait3A = tpu.memref_slice %arg9[%add3A_67] : memref<262144xf32, #tpu.memory_space<vmem_shared>> -> memref<2048xf32, #tpu.memory_space<vmem_shared>>
      %dma_wait3A_106 = tpu.memref_slice %arg9[%add3A_67] : memref<262144xf32, #tpu.memory_space<vmem_shared>> -> memref<2048xf32, #tpu.memory_space<vmem_shared>>
      tpu.wait_dma2 semaphore(%run_scoped3A : memref<!tpu.dma_semaphore, #tpu.memory_space<semaphore_mem>>) src(%arg8 : memref<2048xf32, #tpu.memory_space<vmem>>) dst(%dma_wait3A_106 : memref<2048xf32, #tpu.memory_space<vmem_shared>>)
      tpu.yield
    }) : () -> ()
    %mul3A_68 = arith.constant 16384 : i32
    %mul3A_69 = arith.muli %arg1, %mul3A_68 : i32
    %add3A_70 = arith.constant 6144 : i32
    %add3A_71 = arith.addi %mul3A_69, %add3A_70 : i32
    "tpu.region"() ({
      %run_scoped3A = tpu.sem_alloc : memref<!tpu.dma_semaphore, #tpu.memory_space<semaphore_mem>>
      %dma_start3A = tpu.memref_slice %arg9[%add3A_71] : memref<262144xf32, #tpu.memory_space<vmem_shared>> -> memref<2048xf32, #tpu.memory_space<vmem_shared>>
      %dma_start3A_105 = tpu.memref_slice %arg9[%add3A_71] : memref<262144xf32, #tpu.memory_space<vmem_shared>> -> memref<2048xf32, #tpu.memory_space<vmem_shared>>
      tpu.enqueue_dma source(%arg8 : memref<2048xf32, #tpu.memory_space<vmem>>) target(%dma_start3A_105 : memref<2048xf32, #tpu.memory_space<vmem_shared>>) target_semaphore(%run_scoped3A : memref<!tpu.dma_semaphore, #tpu.memory_space<semaphore_mem>>)
      %dma_wait3A = tpu.memref_slice %arg9[%add3A_71] : memref<262144xf32, #tpu.memory_space<vmem_shared>> -> memref<2048xf32, #tpu.memory_space<vmem_shared>>
      %dma_wait3A_106 = tpu.memref_slice %arg9[%add3A_71] : memref<262144xf32, #tpu.memory_space<vmem_shared>> -> memref<2048xf32, #tpu.memory_space<vmem_shared>>
      tpu.wait_dma2 semaphore(%run_scoped3A : memref<!tpu.dma_semaphore, #tpu.memory_space<semaphore_mem>>) src(%arg8 : memref<2048xf32, #tpu.memory_space<vmem>>) dst(%dma_wait3A_106 : memref<2048xf32, #tpu.memory_space<vmem_shared>>)
      tpu.yield
    }) : () -> ()
    %mul3A_72 = arith.constant 16384 : i32
    %mul3A_73 = arith.muli %arg1, %mul3A_72 : i32
    %add3A_74 = arith.constant 8192 : i32
    %add3A_75 = arith.addi %mul3A_73, %add3A_74 : i32
    "tpu.region"() ({
      %run_scoped3A = tpu.sem_alloc : memref<!tpu.dma_semaphore, #tpu.memory_space<semaphore_mem>>
      %dma_start3A = tpu.memref_slice %arg9[%add3A_75] : memref<262144xf32, #tpu.memory_space<vmem_shared>> -> memref<2048xf32, #tpu.memory_space<vmem_shared>>
      %dma_start3A_105 = tpu.memref_slice %arg9[%add3A_75] : memref<262144xf32, #tpu.memory_space<vmem_shared>> -> memref<2048xf32, #tpu.memory_space<vmem_shared>>
      tpu.enqueue_dma source(%arg8 : memref<2048xf32, #tpu.memory_space<vmem>>) target(%dma_start3A_105 : memref<2048xf32, #tpu.memory_space<vmem_shared>>) target_semaphore(%run_scoped3A : memref<!tpu.dma_semaphore, #tpu.memory_space<semaphore_mem>>)
      %dma_wait3A = tpu.memref_slice %arg9[%add3A_75] : memref<262144xf32, #tpu.memory_space<vmem_shared>> -> memref<2048xf32, #tpu.memory_space<vmem_shared>>
      %dma_wait3A_106 = tpu.memref_slice %arg9[%add3A_75] : memref<262144xf32, #tpu.memory_space<vmem_shared>> -> memref<2048xf32, #tpu.memory_space<vmem_shared>>
      tpu.wait_dma2 semaphore(%run_scoped3A : memref<!tpu.dma_semaphore, #tpu.memory_space<semaphore_mem>>) src(%arg8 : memref<2048xf32, #tpu.memory_space<vmem>>) dst(%dma_wait3A_106 : memref<2048xf32, #tpu.memory_space<vmem_shared>>)
      tpu.yield
    }) : () -> ()
    %mul3A_76 = arith.constant 16384 : i32
    %mul3A_77 = arith.muli %arg1, %mul3A_76 : i32
    %add3A_78 = arith.constant 10240 : i32
    %add3A_79 = arith.addi %mul3A_77, %add3A_78 : i32
    "tpu.region"() ({
      %run_scoped3A = tpu.sem_alloc : memref<!tpu.dma_semaphore, #tpu.memory_space<semaphore_mem>>
      %dma_start3A = tpu.memref_slice %arg9[%add3A_79] : memref<262144xf32, #tpu.memory_space<vmem_shared>> -> memref<2048xf32, #tpu.memory_space<vmem_shared>>
      %dma_start3A_105 = tpu.memref_slice %arg9[%add3A_79] : memref<262144xf32, #tpu.memory_space<vmem_shared>> -> memref<2048xf32, #tpu.memory_space<vmem_shared>>
      tpu.enqueue_dma source(%arg8 : memref<2048xf32, #tpu.memory_space<vmem>>) target(%dma_start3A_105 : memref<2048xf32, #tpu.memory_space<vmem_shared>>) target_semaphore(%run_scoped3A : memref<!tpu.dma_semaphore, #tpu.memory_space<semaphore_mem>>)
      %dma_wait3A = tpu.memref_slice %arg9[%add3A_79] : memref<262144xf32, #tpu.memory_space<vmem_shared>> -> memref<2048xf32, #tpu.memory_space<vmem_shared>>
      %dma_wait3A_106 = tpu.memref_slice %arg9[%add3A_79] : memref<262144xf32, #tpu.memory_space<vmem_shared>> -> memref<2048xf32, #tpu.memory_space<vmem_shared>>
      tpu.wait_dma2 semaphore(%run_scoped3A : memref<!tpu.dma_semaphore, #tpu.memory_space<semaphore_mem>>) src(%arg8 : memref<2048xf32, #tpu.memory_space<vmem>>) dst(%dma_wait3A_106 : memref<2048xf32, #tpu.memory_space<vmem_shared>>)
      tpu.yield
    }) : () -> ()
    %mul3A_80 = arith.constant 16384 : i32
    %mul3A_81 = arith.muli %arg1, %mul3A_80 : i32
    %add3A_82 = arith.constant 12288 : i32
    %add3A_83 = arith.addi %mul3A_81, %add3A_82 : i32
    "tpu.region"() ({
      %run_scoped3A = tpu.sem_alloc : memref<!tpu.dma_semaphore, #tpu.memory_space<semaphore_mem>>
      %dma_start3A = tpu.memref_slice %arg9[%add3A_83] : memref<262144xf32, #tpu.memory_space<vmem_shared>> -> memref<2048xf32, #tpu.memory_space<vmem_shared>>
      %dma_start3A_105 = tpu.memref_slice %arg9[%add3A_83] : memref<262144xf32, #tpu.memory_space<vmem_shared>> -> memref<2048xf32, #tpu.memory_space<vmem_shared>>
      tpu.enqueue_dma source(%arg8 : memref<2048xf32, #tpu.memory_space<vmem>>) target(%dma_start3A_105 : memref<2048xf32, #tpu.memory_space<vmem_shared>>) target_semaphore(%run_scoped3A : memref<!tpu.dma_semaphore, #tpu.memory_space<semaphore_mem>>)
      %dma_wait3A = tpu.memref_slice %arg9[%add3A_83] : memref<262144xf32, #tpu.memory_space<vmem_shared>> -> memref<2048xf32, #tpu.memory_space<vmem_shared>>
      %dma_wait3A_106 = tpu.memref_slice %arg9[%add3A_83] : memref<262144xf32, #tpu.memory_space<vmem_shared>> -> memref<2048xf32, #tpu.memory_space<vmem_shared>>
      tpu.wait_dma2 semaphore(%run_scoped3A : memref<!tpu.dma_semaphore, #tpu.memory_space<semaphore_mem>>) src(%arg8 : memref<2048xf32, #tpu.memory_space<vmem>>) dst(%dma_wait3A_106 : memref<2048xf32, #tpu.memory_space<vmem_shared>>)
      tpu.yield
    }) : () -> ()
    %mul3A_84 = arith.constant 16384 : i32
    %mul3A_85 = arith.muli %arg1, %mul3A_84 : i32
    %add3A_86 = arith.constant 14336 : i32
    %add3A_87 = arith.addi %mul3A_85, %add3A_86 : i32
    "tpu.region"() ({
      %run_scoped3A = tpu.sem_alloc : memref<!tpu.dma_semaphore, #tpu.memory_space<semaphore_mem>>
      %dma_start3A = tpu.memref_slice %arg9[%add3A_87] : memref<262144xf32, #tpu.memory_space<vmem_shared>> -> memref<2048xf32, #tpu.memory_space<vmem_shared>>
      %dma_start3A_105 = tpu.memref_slice %arg9[%add3A_87] : memref<262144xf32, #tpu.memory_space<vmem_shared>> -> memref<2048xf32, #tpu.memory_space<vmem_shared>>
      tpu.enqueue_dma source(%arg8 : memref<2048xf32, #tpu.memory_space<vmem>>) target(%dma_start3A_105 : memref<2048xf32, #tpu.memory_space<vmem_shared>>) target_semaphore(%run_scoped3A : memref<!tpu.dma_semaphore, #tpu.memory_space<semaphore_mem>>)
      %dma_wait3A = tpu.memref_slice %arg9[%add3A_87] : memref<262144xf32, #tpu.memory_space<vmem_shared>> -> memref<2048xf32, #tpu.memory_space<vmem_shared>>
      %dma_wait3A_106 = tpu.memref_slice %arg9[%add3A_87] : memref<262144xf32, #tpu.memory_space<vmem_shared>> -> memref<2048xf32, #tpu.memory_space<vmem_shared>>
      tpu.wait_dma2 semaphore(%run_scoped3A : memref<!tpu.dma_semaphore, #tpu.memory_space<semaphore_mem>>) src(%arg8 : memref<2048xf32, #tpu.memory_space<vmem>>) dst(%dma_wait3A_106 : memref<2048xf32, #tpu.memory_space<vmem_shared>>)
      tpu.yield
    }) : () -> ()
    %scan3A_88 = arith.constant 0 : i32
    %scan3A_89 = arith.constant 0 : i32
    %scan3A_90 = arith.constant 64 : i32
    %scan3A_91 = arith.addi %scan3A_89, %scan3A_90 : i32
    %scan3A_92 = arith.constant 1 : i32
    scf.for %scan3A_105 = %scan3A_89 to %scan3A_91 step %scan3A_92  : i32 {
      %mul3A_106 = arith.constant 128 : i32
      %mul3A_107 = arith.muli %scan3A_105, %mul3A_106 : i32
      %add3A_108 = arith.constant 0 : i32
      %add3A_109 = arith.addi %mul3A_107, %add3A_108 : i32
      %get3A = arith.index_cast %add3A_109 : i32 to index
      %get3A_110 = tpu.vector_load %arg4[%get3A] {strides = array<i32>} : memref<8192xi32, #tpu.memory_space<vmem>>, vector<16xi32>,
      %get3A_111 = vector.shape_cast %get3A_110 : vector<16xi32> to vector<16xi32>
      %get3A_112 = arith.index_cast %add3A_109 : i32 to index
      %get3A_113 = tpu.vector_load %arg5[%get3A_112] {strides = array<i32>} : memref<8192xi32, #tpu.memory_space<vmem>>, vector<16xi32>,
      %get3A_114 = vector.shape_cast %get3A_113 : vector<16xi32> to vector<16xi32>
      %shift_right_logical3A = arith.constant 7 : i32
      %shift_right_logical3A_115 = vector.broadcast %shift_right_logical3A : i32 to vector<16xi32>
      %shift_right_logical3A_116 = arith.shrui %get3A_114, %shift_right_logical3A_115 : vector<16xi32>
      %and3A = arith.constant 127 : i32
      %and3A_117 = vector.broadcast %and3A : i32 to vector<16xi32>
      %and3A_118 = arith.andi %get3A_114, %and3A_117 : vector<16xi32>
      %mul3A_119 = arith.constant 65536 : i32
      %mul3A_120 = vector.broadcast %mul3A_119 : i32 to vector<16xi32>
      %mul3A_121 = arith.muli %shift_right_logical3A_116, %mul3A_120 : vector<16xi32>
      %mul3A_122 = arith.constant 128 : i32
      %mul3A_123 = vector.broadcast %mul3A_122 : i32 to vector<16xi32>
      %mul3A_124 = arith.muli %get3A_111, %mul3A_123 : vector<16xi32>
      %add3A_125 = arith.addi %mul3A_121, %mul3A_124 : vector<16xi32>
      %add3A_126 = arith.addi %add3A_125, %and3A_118 : vector<16xi32>
      %swap3A_127 = arith.index_cast %scan3A_105 : i32 to index
      %swap3A_128 = arith.constant 0 : index
      %swap3A_129 = tpu.vector_load %arg6[%swap3A_127, %swap3A_128] {strides = array<i32>} : memref<64x128xi32, #tpu.memory_space<vmem>>, vector<1x16xi32>,
      %swap3A_130 = vector.shape_cast %swap3A_129 : vector<1x16xi32> to vector<16xi32>
      %swap3A_131 = vector.shape_cast %add3A_126 : vector<16xi32> to vector<1x16xi32>
      tpu.vector_store %arg6[%swap3A_127, %swap3A_128], %swap3A_131 {strides = array<i32>} : memref<64x128xi32, #tpu.memory_space<vmem>>, vector<1x16xi32>,
      %mul3A_132 = arith.constant 128 : i32
      %mul3A_133 = arith.muli %scan3A_105, %mul3A_132 : i32
      %add3A_134 = arith.constant 16 : i32
      %add3A_135 = arith.addi %mul3A_133, %add3A_134 : i32
      %get3A_136 = arith.index_cast %add3A_135 : i32 to index
      %get3A_137 = tpu.vector_load %arg4[%get3A_136] {strides = array<i32>} : memref<8192xi32, #tpu.memory_space<vmem>>, vector<16xi32>,
      %get3A_138 = vector.shape_cast %get3A_137 : vector<16xi32> to vector<16xi32>
      %get3A_139 = arith.index_cast %add3A_135 : i32 to index
      %get3A_140 = tpu.vector_load %arg5[%get3A_139] {strides = array<i32>} : memref<8192xi32, #tpu.memory_space<vmem>>, vector<16xi32>,
      %get3A_141 = vector.shape_cast %get3A_140 : vector<16xi32> to vector<16xi32>
      %shift_right_logical3A_142 = arith.constant 7 : i32
      %shift_right_logical3A_143 = vector.broadcast %shift_right_logical3A_142 : i32 to vector<16xi32>
      %shift_right_logical3A_144 = arith.shrui %get3A_141, %shift_right_logical3A_143 : vector<16xi32>
      %and3A_145 = arith.constant 127 : i32
      %and3A_146 = vector.broadcast %and3A_145 : i32 to vector<16xi32>
      %and3A_147 = arith.andi %get3A_141, %and3A_146 : vector<16xi32>
      %mul3A_148 = arith.constant 65536 : i32
      %mul3A_149 = vector.broadcast %mul3A_148 : i32 to vector<16xi32>
      %mul3A_150 = arith.muli %shift_right_logical3A_144, %mul3A_149 : vector<16xi32>
      %mul3A_151 = arith.constant 128 : i32
      %mul3A_152 = vector.broadcast %mul3A_151 : i32 to vector<16xi32>
      %mul3A_153 = arith.muli %get3A_138, %mul3A_152 : vector<16xi32>
      %add3A_154 = arith.addi %mul3A_150, %mul3A_153 : vector<16xi32>
      %add3A_155 = arith.addi %add3A_154, %and3A_147 : vector<16xi32>
      %swap3A_156 = arith.index_cast %scan3A_105 : i32 to index
      %swap3A_157 = arith.constant 16 : index
      %swap3A_158 = tpu.vector_load %arg6[%swap3A_156, %swap3A_157] {strides = array<i32>} : memref<64x128xi32, #tpu.memory_space<vmem>>, vector<1x16xi32>,
      %swap3A_159 = vector.shape_cast %swap3A_158 : vector<1x16xi32> to vector<16xi32>
      %swap3A_160 = vector.shape_cast %add3A_155 : vector<16xi32> to vector<1x16xi32>
      tpu.vector_store %arg6[%swap3A_156, %swap3A_157], %swap3A_160 {strides = array<i32>} : memref<64x128xi32, #tpu.memory_space<vmem>>, vector<1x16xi32>,
      %mul3A_161 = arith.constant 128 : i32
      %mul3A_162 = arith.muli %scan3A_105, %mul3A_161 : i32
      %add3A_163 = arith.constant 32 : i32
      %add3A_164 = arith.addi %mul3A_162, %add3A_163 : i32
      %get3A_165 = arith.index_cast %add3A_164 : i32 to index
      %get3A_166 = tpu.vector_load %arg4[%get3A_165] {strides = array<i32>} : memref<8192xi32, #tpu.memory_space<vmem>>, vector<16xi32>,
      %get3A_167 = vector.shape_cast %get3A_166 : vector<16xi32> to vector<16xi32>
      %get3A_168 = arith.index_cast %add3A_164 : i32 to index
      %get3A_169 = tpu.vector_load %arg5[%get3A_168] {strides = array<i32>} : memref<8192xi32, #tpu.memory_space<vmem>>, vector<16xi32>,
      %get3A_170 = vector.shape_cast %get3A_169 : vector<16xi32> to vector<16xi32>
      %shift_right_logical3A_171 = arith.constant 7 : i32
      %shift_right_logical3A_172 = vector.broadcast %shift_right_logical3A_171 : i32 to vector<16xi32>
      %shift_right_logical3A_173 = arith.shrui %get3A_170, %shift_right_logical3A_172 : vector<16xi32>
      %and3A_174 = arith.constant 127 : i32
      %and3A_175 = vector.broadcast %and3A_174 : i32 to vector<16xi32>
      %and3A_176 = arith.andi %get3A_170, %and3A_175 : vector<16xi32>
      %mul3A_177 = arith.constant 65536 : i32
      %mul3A_178 = vector.broadcast %mul3A_177 : i32 to vector<16xi32>
      %mul3A_179 = arith.muli %shift_right_logical3A_173, %mul3A_178 : vector<16xi32>
      %mul3A_180 = arith.constant 128 : i32
      %mul3A_181 = vector.broadcast %mul3A_180 : i32 to vector<16xi32>
      %mul3A_182 = arith.muli %get3A_167, %mul3A_181 : vector<16xi32>
      %add3A_183 = arith.addi %mul3A_179, %mul3A_182 : vector<16xi32>
      %add3A_184 = arith.addi %add3A_183, %and3A_176 : vector<16xi32>
      %swap3A_185 = arith.index_cast %scan3A_105 : i32 to index
      %swap3A_186 = arith.constant 32 : index
      %swap3A_187 = tpu.vector_load %arg6[%swap3A_185, %swap3A_186] {strides = array<i32>} : memref<64x128xi32, #tpu.memory_space<vmem>>, vector<1x16xi32>,
      %swap3A_188 = vector.shape_cast %swap3A_187 : vector<1x16xi32> to vector<16xi32>
      %swap3A_189 = vector.shape_cast %add3A_184 : vector<16xi32> to vector<1x16xi32>
      tpu.vector_store %arg6[%swap3A_185, %swap3A_186], %swap3A_189 {strides = array<i32>} : memref<64x128xi32, #tpu.memory_space<vmem>>, vector<1x16xi32>,
      %mul3A_190 = arith.constant 128 : i32
      %mul3A_191 = arith.muli %scan3A_105, %mul3A_190 : i32
      %add3A_192 = arith.constant 48 : i32
      %add3A_193 = arith.addi %mul3A_191, %add3A_192 : i32
      %get3A_194 = arith.index_cast %add3A_193 : i32 to index
      %get3A_195 = tpu.vector_load %arg4[%get3A_194] {strides = array<i32>} : memref<8192xi32, #tpu.memory_space<vmem>>, vector<16xi32>,
      %get3A_196 = vector.shape_cast %get3A_195 : vector<16xi32> to vector<16xi32>
      %get3A_197 = arith.index_cast %add3A_193 : i32 to index
      %get3A_198 = tpu.vector_load %arg5[%get3A_197] {strides = array<i32>} : memref<8192xi32, #tpu.memory_space<vmem>>, vector<16xi32>,
      %get3A_199 = vector.shape_cast %get3A_198 : vector<16xi32> to vector<16xi32>
      %shift_right_logical3A_200 = arith.constant 7 : i32
      %shift_right_logical3A_201 = vector.broadcast %shift_right_logical3A_200 : i32 to vector<16xi32>
      %shift_right_logical3A_202 = arith.shrui %get3A_199, %shift_right_logical3A_201 : vector<16xi32>
      %and3A_203 = arith.constant 127 : i32
      %and3A_204 = vector.broadcast %and3A_203 : i32 to vector<16xi32>
      %and3A_205 = arith.andi %get3A_199, %and3A_204 : vector<16xi32>
      %mul3A_206 = arith.constant 65536 : i32
      %mul3A_207 = vector.broadcast %mul3A_206 : i32 to vector<16xi32>
      %mul3A_208 = arith.muli %shift_right_logical3A_202, %mul3A_207 : vector<16xi32>
      %mul3A_209 = arith.constant 128 : i32
      %mul3A_210 = vector.broadcast %mul3A_209 : i32 to vector<16xi32>
      %mul3A_211 = arith.muli %get3A_196, %mul3A_210 : vector<16xi32>
      %add3A_212 = arith.addi %mul3A_208, %mul3A_211 : vector<16xi32>
      %add3A_213 = arith.addi %add3A_212, %and3A_205 : vector<16xi32>
      %swap3A_214 = arith.index_cast %scan3A_105 : i32 to index
      %swap3A_215 = arith.constant 48 : index
      %swap3A_216 = tpu.vector_load %arg6[%swap3A_214, %swap3A_215] {strides = array<i32>} : memref<64x128xi32, #tpu.memory_space<vmem>>, vector<1x16xi32>,
      %swap3A_217 = vector.shape_cast %swap3A_216 : vector<1x16xi32> to vector<16xi32>
      %swap3A_218 = vector.shape_cast %add3A_213 : vector<16xi32> to vector<1x16xi32>
      tpu.vector_store %arg6[%swap3A_214, %swap3A_215], %swap3A_218 {strides = array<i32>} : memref<64x128xi32, #tpu.memory_space<vmem>>, vector<1x16xi32>,
      %mul3A_219 = arith.constant 128 : i32
      %mul3A_220 = arith.muli %scan3A_105, %mul3A_219 : i32
      %add3A_221 = arith.constant 64 : i32
      %add3A_222 = arith.addi %mul3A_220, %add3A_221 : i32
      %get3A_223 = arith.index_cast %add3A_222 : i32 to index
      %get3A_224 = tpu.vector_load %arg4[%get3A_223] {strides = array<i32>} : memref<8192xi32, #tpu.memory_space<vmem>>, vector<16xi32>,
      %get3A_225 = vector.shape_cast %get3A_224 : vector<16xi32> to vector<16xi32>
      %get3A_226 = arith.index_cast %add3A_222 : i32 to index
      %get3A_227 = tpu.vector_load %arg5[%get3A_226] {strides = array<i32>} : memref<8192xi32, #tpu.memory_space<vmem>>, vector<16xi32>,
      %get3A_228 = vector.shape_cast %get3A_227 : vector<16xi32> to vector<16xi32>
      %shift_right_logical3A_229 = arith.constant 7 : i32
      %shift_right_logical3A_230 = vector.broadcast %shift_right_logical3A_229 : i32 to vector<16xi32>
      %shift_right_logical3A_231 = arith.shrui %get3A_228, %shift_right_logical3A_230 : vector<16xi32>
      %and3A_232 = arith.constant 127 : i32
      %and3A_233 = vector.broadcast %and3A_232 : i32 to vector<16xi32>
      %and3A_234 = arith.andi %get3A_228, %and3A_233 : vector<16xi32>
      %mul3A_235 = arith.constant 65536 : i32
      %mul3A_236 = vector.broadcast %mul3A_235 : i32 to vector<16xi32>
      %mul3A_237 = arith.muli %shift_right_logical3A_231, %mul3A_236 : vector<16xi32>
      %mul3A_238 = arith.constant 128 : i32
      %mul3A_239 = vector.broadcast %mul3A_238 : i32 to vector<16xi32>
      %mul3A_240 = arith.muli %get3A_225, %mul3A_239 : vector<16xi32>
      %add3A_241 = arith.addi %mul3A_237, %mul3A_240 : vector<16xi32>
      %add3A_242 = arith.addi %add3A_241, %and3A_234 : vector<16xi32>
      %swap3A_243 = arith.index_cast %scan3A_105 : i32 to index
      %swap3A_244 = arith.constant 64 : index
      %swap3A_245 = tpu.vector_load %arg6[%swap3A_243, %swap3A_244] {strides = array<i32>} : memref<64x128xi32, #tpu.memory_space<vmem>>, vector<1x16xi32>,
      %swap3A_246 = vector.shape_cast %swap3A_245 : vector<1x16xi32> to vector<16xi32>
      %swap3A_247 = vector.shape_cast %add3A_242 : vector<16xi32> to vector<1x16xi32>
      tpu.vector_store %arg6[%swap3A_243, %swap3A_244], %swap3A_247 {strides = array<i32>} : memref<64x128xi32, #tpu.memory_space<vmem>>, vector<1x16xi32>,
      %mul3A_248 = arith.constant 128 : i32
      %mul3A_249 = arith.muli %scan3A_105, %mul3A_248 : i32
      %add3A_250 = arith.constant 80 : i32
      %add3A_251 = arith.addi %mul3A_249, %add3A_250 : i32
      %get3A_252 = arith.index_cast %add3A_251 : i32 to index
      %get3A_253 = tpu.vector_load %arg4[%get3A_252] {strides = array<i32>} : memref<8192xi32, #tpu.memory_space<vmem>>, vector<16xi32>,
      %get3A_254 = vector.shape_cast %get3A_253 : vector<16xi32> to vector<16xi32>
      %get3A_255 = arith.index_cast %add3A_251 : i32 to index
      %get3A_256 = tpu.vector_load %arg5[%get3A_255] {strides = array<i32>} : memref<8192xi32, #tpu.memory_space<vmem>>, vector<16xi32>,
      %get3A_257 = vector.shape_cast %get3A_256 : vector<16xi32> to vector<16xi32>
      %shift_right_logical3A_258 = arith.constant 7 : i32
      %shift_right_logical3A_259 = vector.broadcast %shift_right_logical3A_258 : i32 to vector<16xi32>
      %shift_right_logical3A_260 = arith.shrui %get3A_257, %shift_right_logical3A_259 : vector<16xi32>
      %and3A_261 = arith.constant 127 : i32
      %and3A_262 = vector.broadcast %and3A_261 : i32 to vector<16xi32>
      %and3A_263 = arith.andi %get3A_257, %and3A_262 : vector<16xi32>
      %mul3A_264 = arith.constant 65536 : i32
      %mul3A_265 = vector.broadcast %mul3A_264 : i32 to vector<16xi32>
      %mul3A_266 = arith.muli %shift_right_logical3A_260, %mul3A_265 : vector<16xi32>
      %mul3A_267 = arith.constant 128 : i32
      %mul3A_268 = vector.broadcast %mul3A_267 : i32 to vector<16xi32>
      %mul3A_269 = arith.muli %get3A_254, %mul3A_268 : vector<16xi32>
      %add3A_270 = arith.addi %mul3A_266, %mul3A_269 : vector<16xi32>
      %add3A_271 = arith.addi %add3A_270, %and3A_263 : vector<16xi32>
      %swap3A_272 = arith.index_cast %scan3A_105 : i32 to index
      %swap3A_273 = arith.constant 80 : index
      %swap3A_274 = tpu.vector_load %arg6[%swap3A_272, %swap3A_273] {strides = array<i32>} : memref<64x128xi32, #tpu.memory_space<vmem>>, vector<1x16xi32>,
      %swap3A_275 = vector.shape_cast %swap3A_274 : vector<1x16xi32> to vector<16xi32>
      %swap3A_276 = vector.shape_cast %add3A_271 : vector<16xi32> to vector<1x16xi32>
      tpu.vector_store %arg6[%swap3A_272, %swap3A_273], %swap3A_276 {strides = array<i32>} : memref<64x128xi32, #tpu.memory_space<vmem>>, vector<1x16xi32>,
      %mul3A_277 = arith.constant 128 : i32
      %mul3A_278 = arith.muli %scan3A_105, %mul3A_277 : i32
      %add3A_279 = arith.constant 96 : i32
      %add3A_280 = arith.addi %mul3A_278, %add3A_279 : i32
      %get3A_281 = arith.index_cast %add3A_280 : i32 to index
      %get3A_282 = tpu.vector_load %arg4[%get3A_281] {strides = array<i32>} : memref<8192xi32, #tpu.memory_space<vmem>>, vector<16xi32>,
      %get3A_283 = vector.shape_cast %get3A_282 : vector<16xi32> to vector<16xi32>
      %get3A_284 = arith.index_cast %add3A_280 : i32 to index
      %get3A_285 = tpu.vector_load %arg5[%get3A_284] {strides = array<i32>} : memref<8192xi32, #tpu.memory_space<vmem>>, vector<16xi32>,
      %get3A_286 = vector.shape_cast %get3A_285 : vector<16xi32> to vector<16xi32>
      %shift_right_logical3A_287 = arith.constant 7 : i32
      %shift_right_logical3A_288 = vector.broadcast %shift_right_logical3A_287 : i32 to vector<16xi32>
      %shift_right_logical3A_289 = arith.shrui %get3A_286, %shift_right_logical3A_288 : vector<16xi32>
      %and3A_290 = arith.constant 127 : i32
      %and3A_291 = vector.broadcast %and3A_290 : i32 to vector<16xi32>
      %and3A_292 = arith.andi %get3A_286, %and3A_291 : vector<16xi32>
      %mul3A_293 = arith.constant 65536 : i32
      %mul3A_294 = vector.broadcast %mul3A_293 : i32 to vector<16xi32>
      %mul3A_295 = arith.muli %shift_right_logical3A_289, %mul3A_294 : vector<16xi32>
      %mul3A_296 = arith.constant 128 : i32
      %mul3A_297 = vector.broadcast %mul3A_296 : i32 to vector<16xi32>
      %mul3A_298 = arith.muli %get3A_283, %mul3A_297 : vector<16xi32>
      %add3A_299 = arith.addi %mul3A_295, %mul3A_298 : vector<16xi32>
      %add3A_300 = arith.addi %add3A_299, %and3A_292 : vector<16xi32>
      %swap3A_301 = arith.index_cast %scan3A_105 : i32 to index
      %swap3A_302 = arith.constant 96 : index
      %swap3A_303 = tpu.vector_load %arg6[%swap3A_301, %swap3A_302] {strides = array<i32>} : memref<64x128xi32, #tpu.memory_space<vmem>>, vector<1x16xi32>,
      %swap3A_304 = vector.shape_cast %swap3A_303 : vector<1x16xi32> to vector<16xi32>
      %swap3A_305 = vector.shape_cast %add3A_300 : vector<16xi32> to vector<1x16xi32>
      tpu.vector_store %arg6[%swap3A_301, %swap3A_302], %swap3A_305 {strides = array<i32>} : memref<64x128xi32, #tpu.memory_space<vmem>>, vector<1x16xi32>,
      %mul3A_306 = arith.constant 128 : i32
      %mul3A_307 = arith.muli %scan3A_105, %mul3A_306 : i32
      %add3A_308 = arith.constant 112 : i32
      %add3A_309 = arith.addi %mul3A_307, %add3A_308 : i32
      %get3A_310 = arith.index_cast %add3A_309 : i32 to index
      %get3A_311 = tpu.vector_load %arg4[%get3A_310] {strides = array<i32>} : memref<8192xi32, #tpu.memory_space<vmem>>, vector<16xi32>,
      %get3A_312 = vector.shape_cast %get3A_311 : vector<16xi32> to vector<16xi32>
      %get3A_313 = arith.index_cast %add3A_309 : i32 to index
      %get3A_314 = tpu.vector_load %arg5[%get3A_313] {strides = array<i32>} : memref<8192xi32, #tpu.memory_space<vmem>>, vector<16xi32>,
      %get3A_315 = vector.shape_cast %get3A_314 : vector<16xi32> to vector<16xi32>
      %shift_right_logical3A_316 = arith.constant 7 : i32
      %shift_right_logical3A_317 = vector.broadcast %shift_right_logical3A_316 : i32 to vector<16xi32>
      %shift_right_logical3A_318 = arith.shrui %get3A_315, %shift_right_logical3A_317 : vector<16xi32>
      %and3A_319 = arith.constant 127 : i32
      %and3A_320 = vector.broadcast %and3A_319 : i32 to vector<16xi32>
      %and3A_321 = arith.andi %get3A_315, %and3A_320 : vector<16xi32>
      %mul3A_322 = arith.constant 65536 : i32
      %mul3A_323 = vector.broadcast %mul3A_322 : i32 to vector<16xi32>
      %mul3A_324 = arith.muli %shift_right_logical3A_318, %mul3A_323 : vector<16xi32>
      %mul3A_325 = arith.constant 128 : i32
      %mul3A_326 = vector.broadcast %mul3A_325 : i32 to vector<16xi32>
      %mul3A_327 = arith.muli %get3A_312, %mul3A_326 : vector<16xi32>
      %add3A_328 = arith.addi %mul3A_324, %mul3A_327 : vector<16xi32>
      %add3A_329 = arith.addi %add3A_328, %and3A_321 : vector<16xi32>
      %swap3A_330 = arith.index_cast %scan3A_105 : i32 to index
      %swap3A_331 = arith.constant 112 : index
      %swap3A_332 = tpu.vector_load %arg6[%swap3A_330, %swap3A_331] {strides = array<i32>} : memref<64x128xi32, #tpu.memory_space<vmem>>, vector<1x16xi32>,
      %swap3A_333 = vector.shape_cast %swap3A_332 : vector<1x16xi32> to vector<16xi32>
      %swap3A_334 = vector.shape_cast %add3A_329 : vector<16xi32> to vector<1x16xi32>
      tpu.vector_store %arg6[%swap3A_330, %swap3A_331], %swap3A_334 {strides = array<i32>} : memref<64x128xi32, #tpu.memory_space<vmem>>, vector<1x16xi32>,
    }
    %scan3A_93 = arith.constant 64 : i32
    %barrier3A = arith.constant 0 : index
    tpu.barrier barrier_id(%barrier3A)
    %scan3A_94 = arith.constant 0 : i32
    %scan3A_95 = arith.constant 0 : i32
    %scan3A_96 = arith.constant 8 : i32
    %scan3A_97 = arith.addi %scan3A_95, %scan3A_96 : i32
    %scan3A_98 = arith.constant 1 : i32
    scf.for %scan3A_105 = %scan3A_95 to %scan3A_97 step %scan3A_98  : i32 {
      %mul3A_106 = arith.constant 8 : i32
      %mul3A_107 = arith.muli %scan3A_105, %mul3A_106 : i32
      %add3A_108 = arith.constant 0 : i32
      %add3A_109 = arith.addi %mul3A_107, %add3A_108 : i32
      %dma_start3A = arith.constant 0 : i32
      %dma_start3A_110 = tpu.memref_slice %arg6[%add3A_109, %dma_start3A] : memref<64x128xi32, #tpu.memory_space<vmem>> -> memref<1x128xi32, #tpu.memory_space<vmem>>
      %dma_start3A_111 = tpu.memref_squeeze %dma_start3A_110 : memref<1x128xi32, #tpu.memory_space<vmem>> -> memref<128xi32, #tpu.memory_space<vmem>>
      %dma_start3A_112 = arith.constant 0 : i32
      %dma_start3A_113 = tpu.memref_slice %arg9[%dma_start3A_112] : memref<262144xf32, #tpu.memory_space<vmem_shared>> -> memref<262144xf32, #tpu.memory_space<vmem_shared>>
      tpu.enqueue_indirect_dma source(%arg7 : memref<128xf32, #tpu.memory_space<vmem>>) target(%dma_start3A_113 : memref<262144xf32, #tpu.memory_space<vmem_shared>>) offsets(%dma_start3A_111 : memref<128xi32, #tpu.memory_space<vmem>>) semaphore(%arg10 : memref<!tpu.dma_semaphore, #tpu.memory_space<semaphore_mem>>) {add = true}
      %mul3A_114 = arith.constant 8 : i32
      %mul3A_115 = arith.muli %scan3A_105, %mul3A_114 : i32
      %add3A_116 = arith.constant 1 : i32
      %add3A_117 = arith.addi %mul3A_115, %add3A_116 : i32
      %dma_start3A_118 = arith.constant 0 : i32
      %dma_start3A_119 = tpu.memref_slice %arg6[%add3A_117, %dma_start3A_118] : memref<64x128xi32, #tpu.memory_space<vmem>> -> memref<1x128xi32, #tpu.memory_space<vmem>>
      %dma_start3A_120 = tpu.memref_squeeze %dma_start3A_119 : memref<1x128xi32, #tpu.memory_space<vmem>> -> memref<128xi32, #tpu.memory_space<vmem>>
      %dma_start3A_121 = arith.constant 0 : i32
      %dma_start3A_122 = tpu.memref_slice %arg9[%dma_start3A_121] : memref<262144xf32, #tpu.memory_space<vmem_shared>> -> memref<262144xf32, #tpu.memory_space<vmem_shared>>
      tpu.enqueue_indirect_dma source(%arg7 : memref<128xf32, #tpu.memory_space<vmem>>) target(%dma_start3A_122 : memref<262144xf32, #tpu.memory_space<vmem_shared>>) offsets(%dma_start3A_120 : memref<128xi32, #tpu.memory_space<vmem>>) semaphore(%arg10 : memref<!tpu.dma_semaphore, #tpu.memory_space<semaphore_mem>>) {add = true}
      %mul3A_123 = arith.constant 8 : i32
      %mul3A_124 = arith.muli %scan3A_105, %mul3A_123 : i32
      %add3A_125 = arith.constant 2 : i32
      %add3A_126 = arith.addi %mul3A_124, %add3A_125 : i32
      %dma_start3A_127 = arith.constant 0 : i32
      %dma_start3A_128 = tpu.memref_slice %arg6[%add3A_126, %dma_start3A_127] : memref<64x128xi32, #tpu.memory_space<vmem>> -> memref<1x128xi32, #tpu.memory_space<vmem>>
      %dma_start3A_129 = tpu.memref_squeeze %dma_start3A_128 : memref<1x128xi32, #tpu.memory_space<vmem>> -> memref<128xi32, #tpu.memory_space<vmem>>
      %dma_start3A_130 = arith.constant 0 : i32
      %dma_start3A_131 = tpu.memref_slice %arg9[%dma_start3A_130] : memref<262144xf32, #tpu.memory_space<vmem_shared>> -> memref<262144xf32, #tpu.memory_space<vmem_shared>>
      tpu.enqueue_indirect_dma source(%arg7 : memref<128xf32, #tpu.memory_space<vmem>>) target(%dma_start3A_131 : memref<262144xf32, #tpu.memory_space<vmem_shared>>) offsets(%dma_start3A_129 : memref<128xi32, #tpu.memory_space<vmem>>) semaphore(%arg10 : memref<!tpu.dma_semaphore, #tpu.memory_space<semaphore_mem>>) {add = true}
      %mul3A_132 = arith.constant 8 : i32
      %mul3A_133 = arith.muli %scan3A_105, %mul3A_132 : i32
      %add3A_134 = arith.constant 3 : i32
      %add3A_135 = arith.addi %mul3A_133, %add3A_134 : i32
      %dma_start3A_136 = arith.constant 0 : i32
      %dma_start3A_137 = tpu.memref_slice %arg6[%add3A_135, %dma_start3A_136] : memref<64x128xi32, #tpu.memory_space<vmem>> -> memref<1x128xi32, #tpu.memory_space<vmem>>
      %dma_start3A_138 = tpu.memref_squeeze %dma_start3A_137 : memref<1x128xi32, #tpu.memory_space<vmem>> -> memref<128xi32, #tpu.memory_space<vmem>>
      %dma_start3A_139 = arith.constant 0 : i32
      %dma_start3A_140 = tpu.memref_slice %arg9[%dma_start3A_139] : memref<262144xf32, #tpu.memory_space<vmem_shared>> -> memref<262144xf32, #tpu.memory_space<vmem_shared>>
      tpu.enqueue_indirect_dma source(%arg7 : memref<128xf32, #tpu.memory_space<vmem>>) target(%dma_start3A_140 : memref<262144xf32, #tpu.memory_space<vmem_shared>>) offsets(%dma_start3A_138 : memref<128xi32, #tpu.memory_space<vmem>>) semaphore(%arg10 : memref<!tpu.dma_semaphore, #tpu.memory_space<semaphore_mem>>) {add = true}
      %mul3A_141 = arith.constant 8 : i32
      %mul3A_142 = arith.muli %scan3A_105, %mul3A_141 : i32
      %add3A_143 = arith.constant 4 : i32
      %add3A_144 = arith.addi %mul3A_142, %add3A_143 : i32
      %dma_start3A_145 = arith.constant 0 : i32
      %dma_start3A_146 = tpu.memref_slice %arg6[%add3A_144, %dma_start3A_145] : memref<64x128xi32, #tpu.memory_space<vmem>> -> memref<1x128xi32, #tpu.memory_space<vmem>>
      %dma_start3A_147 = tpu.memref_squeeze %dma_start3A_146 : memref<1x128xi32, #tpu.memory_space<vmem>> -> memref<128xi32, #tpu.memory_space<vmem>>
      %dma_start3A_148 = arith.constant 0 : i32
      %dma_start3A_149 = tpu.memref_slice %arg9[%dma_start3A_148] : memref<262144xf32, #tpu.memory_space<vmem_shared>> -> memref<262144xf32, #tpu.memory_space<vmem_shared>>
      tpu.enqueue_indirect_dma source(%arg7 : memref<128xf32, #tpu.memory_space<vmem>>) target(%dma_start3A_149 : memref<262144xf32, #tpu.memory_space<vmem_shared>>) offsets(%dma_start3A_147 : memref<128xi32, #tpu.memory_space<vmem>>) semaphore(%arg10 : memref<!tpu.dma_semaphore, #tpu.memory_space<semaphore_mem>>) {add = true}
      %mul3A_150 = arith.constant 8 : i32
      %mul3A_151 = arith.muli %scan3A_105, %mul3A_150 : i32
      %add3A_152 = arith.constant 5 : i32
      %add3A_153 = arith.addi %mul3A_151, %add3A_152 : i32
      %dma_start3A_154 = arith.constant 0 : i32
      %dma_start3A_155 = tpu.memref_slice %arg6[%add3A_153, %dma_start3A_154] : memref<64x128xi32, #tpu.memory_space<vmem>> -> memref<1x128xi32, #tpu.memory_space<vmem>>
      %dma_start3A_156 = tpu.memref_squeeze %dma_start3A_155 : memref<1x128xi32, #tpu.memory_space<vmem>> -> memref<128xi32, #tpu.memory_space<vmem>>
      %dma_start3A_157 = arith.constant 0 : i32
      %dma_start3A_158 = tpu.memref_slice %arg9[%dma_start3A_157] : memref<262144xf32, #tpu.memory_space<vmem_shared>> -> memref<262144xf32, #tpu.memory_space<vmem_shared>>
      tpu.enqueue_indirect_dma source(%arg7 : memref<128xf32, #tpu.memory_space<vmem>>) target(%dma_start3A_158 : memref<262144xf32, #tpu.memory_space<vmem_shared>>) offsets(%dma_start3A_156 : memref<128xi32, #tpu.memory_space<vmem>>) semaphore(%arg10 : memref<!tpu.dma_semaphore, #tpu.memory_space<semaphore_mem>>) {add = true}
      %mul3A_159 = arith.constant 8 : i32
      %mul3A_160 = arith.muli %scan3A_105, %mul3A_159 : i32
      %add3A_161 = arith.constant 6 : i32
      %add3A_162 = arith.addi %mul3A_160, %add3A_161 : i32
      %dma_start3A_163 = arith.constant 0 : i32
      %dma_start3A_164 = tpu.memref_slice %arg6[%add3A_162, %dma_start3A_163] : memref<64x128xi32, #tpu.memory_space<vmem>> -> memref<1x128xi32, #tpu.memory_space<vmem>>
      %dma_start3A_165 = tpu.memref_squeeze %dma_start3A_164 : memref<1x128xi32, #tpu.memory_space<vmem>> -> memref<128xi32, #tpu.memory_space<vmem>>
      %dma_start3A_166 = arith.constant 0 : i32
      %dma_start3A_167 = tpu.memref_slice %arg9[%dma_start3A_166] : memref<262144xf32, #tpu.memory_space<vmem_shared>> -> memref<262144xf32, #tpu.memory_space<vmem_shared>>
      tpu.enqueue_indirect_dma source(%arg7 : memref<128xf32, #tpu.memory_space<vmem>>) target(%dma_start3A_167 : memref<262144xf32, #tpu.memory_space<vmem_shared>>) offsets(%dma_start3A_165 : memref<128xi32, #tpu.memory_space<vmem>>) semaphore(%arg10 : memref<!tpu.dma_semaphore, #tpu.memory_space<semaphore_mem>>) {add = true}
      %mul3A_168 = arith.constant 8 : i32
      %mul3A_169 = arith.muli %scan3A_105, %mul3A_168 : i32
      %add3A_170 = arith.constant 7 : i32
      %add3A_171 = arith.addi %mul3A_169, %add3A_170 : i32
      %dma_start3A_172 = arith.constant 0 : i32
      %dma_start3A_173 = tpu.memref_slice %arg6[%add3A_171, %dma_start3A_172] : memref<64x128xi32, #tpu.memory_space<vmem>> -> memref<1x128xi32, #tpu.memory_space<vmem>>
      %dma_start3A_174 = tpu.memref_squeeze %dma_start3A_173 : memref<1x128xi32, #tpu.memory_space<vmem>> -> memref<128xi32, #tpu.memory_space<vmem>>
      %dma_start3A_175 = arith.constant 0 : i32
      %dma_start3A_176 = tpu.memref_slice %arg9[%dma_start3A_175] : memref<262144xf32, #tpu.memory_space<vmem_shared>> -> memref<262144xf32, #tpu.memory_space<vmem_shared>>
      tpu.enqueue_indirect_dma source(%arg7 : memref<128xf32, #tpu.memory_space<vmem>>) target(%dma_start3A_176 : memref<262144xf32, #tpu.memory_space<vmem_shared>>) offsets(%dma_start3A_174 : memref<128xi32, #tpu.memory_space<vmem>>) semaphore(%arg10 : memref<!tpu.dma_semaphore, #tpu.memory_space<semaphore_mem>>) {add = true}
      %dma_wait3A = arith.constant 0 : i32
      %dma_wait3A_177 = tpu.memref_slice %arg6[%add3A_109, %dma_wait3A] : memref<64x128xi32, #tpu.memory_space<vmem>> -> memref<1x128xi32, #tpu.memory_space<vmem>>
      %dma_wait3A_178 = tpu.memref_squeeze %dma_wait3A_177 : memref<1x128xi32, #tpu.memory_space<vmem>> -> memref<128xi32, #tpu.memory_space<vmem>>
      %dma_wait3A_179 = arith.constant 0 : i32
      %dma_wait3A_180 = tpu.memref_slice %arg9[%dma_wait3A_179] : memref<262144xf32, #tpu.memory_space<vmem_shared>> -> memref<262144xf32, #tpu.memory_space<vmem_shared>>
      tpu.wait_indirect_dma semaphore(%arg10 : memref<!tpu.dma_semaphore, #tpu.memory_space<semaphore_mem>>) src(%arg7 : memref<128xf32, #tpu.memory_space<vmem>>) dst(%dma_wait3A_180 : memref<262144xf32, #tpu.memory_space<vmem_shared>>)
      %dma_wait3A_181 = arith.constant 0 : i32
      %dma_wait3A_182 = tpu.memref_slice %arg6[%add3A_117, %dma_wait3A_181] : memref<64x128xi32, #tpu.memory_space<vmem>> -> memref<1x128xi32, #tpu.memory_space<vmem>>
      %dma_wait3A_183 = tpu.memref_squeeze %dma_wait3A_182 : memref<1x128xi32, #tpu.memory_space<vmem>> -> memref<128xi32, #tpu.memory_space<vmem>>
      %dma_wait3A_184 = arith.constant 0 : i32
      %dma_wait3A_185 = tpu.memref_slice %arg9[%dma_wait3A_184] : memref<262144xf32, #tpu.memory_space<vmem_shared>> -> memref<262144xf32, #tpu.memory_space<vmem_shared>>
      tpu.wait_indirect_dma semaphore(%arg10 : memref<!tpu.dma_semaphore, #tpu.memory_space<semaphore_mem>>) src(%arg7 : memref<128xf32, #tpu.memory_space<vmem>>) dst(%dma_wait3A_185 : memref<262144xf32, #tpu.memory_space<vmem_shared>>)
      %dma_wait3A_186 = arith.constant 0 : i32
      %dma_wait3A_187 = tpu.memref_slice %arg6[%add3A_126, %dma_wait3A_186] : memref<64x128xi32, #tpu.memory_space<vmem>> -> memref<1x128xi32, #tpu.memory_space<vmem>>
      %dma_wait3A_188 = tpu.memref_squeeze %dma_wait3A_187 : memref<1x128xi32, #tpu.memory_space<vmem>> -> memref<128xi32, #tpu.memory_space<vmem>>
      %dma_wait3A_189 = arith.constant 0 : i32
      %dma_wait3A_190 = tpu.memref_slice %arg9[%dma_wait3A_189] : memref<262144xf32, #tpu.memory_space<vmem_shared>> -> memref<262144xf32, #tpu.memory_space<vmem_shared>>
      tpu.wait_indirect_dma semaphore(%arg10 : memref<!tpu.dma_semaphore, #tpu.memory_space<semaphore_mem>>) src(%arg7 : memref<128xf32, #tpu.memory_space<vmem>>) dst(%dma_wait3A_190 : memref<262144xf32, #tpu.memory_space<vmem_shared>>)
      %dma_wait3A_191 = arith.constant 0 : i32
      %dma_wait3A_192 = tpu.memref_slice %arg6[%add3A_135, %dma_wait3A_191] : memref<64x128xi32, #tpu.memory_space<vmem>> -> memref<1x128xi32, #tpu.memory_space<vmem>>
      %dma_wait3A_193 = tpu.memref_squeeze %dma_wait3A_192 : memref<1x128xi32, #tpu.memory_space<vmem>> -> memref<128xi32, #tpu.memory_space<vmem>>
      %dma_wait3A_194 = arith.constant 0 : i32
      %dma_wait3A_195 = tpu.memref_slice %arg9[%dma_wait3A_194] : memref<262144xf32, #tpu.memory_space<vmem_shared>> -> memref<262144xf32, #tpu.memory_space<vmem_shared>>
      tpu.wait_indirect_dma semaphore(%arg10 : memref<!tpu.dma_semaphore, #tpu.memory_space<semaphore_mem>>) src(%arg7 : memref<128xf32, #tpu.memory_space<vmem>>) dst(%dma_wait3A_195 : memref<262144xf32, #tpu.memory_space<vmem_shared>>)
      %dma_wait3A_196 = arith.constant 0 : i32
      %dma_wait3A_197 = tpu.memref_slice %arg6[%add3A_144, %dma_wait3A_196] : memref<64x128xi32, #tpu.memory_space<vmem>> -> memref<1x128xi32, #tpu.memory_space<vmem>>
      %dma_wait3A_198 = tpu.memref_squeeze %dma_wait3A_197 : memref<1x128xi32, #tpu.memory_space<vmem>> -> memref<128xi32, #tpu.memory_space<vmem>>
      %dma_wait3A_199 = arith.constant 0 : i32
      %dma_wait3A_200 = tpu.memref_slice %arg9[%dma_wait3A_199] : memref<262144xf32, #tpu.memory_space<vmem_shared>> -> memref<262144xf32, #tpu.memory_space<vmem_shared>>
      tpu.wait_indirect_dma semaphore(%arg10 : memref<!tpu.dma_semaphore, #tpu.memory_space<semaphore_mem>>) src(%arg7 : memref<128xf32, #tpu.memory_space<vmem>>) dst(%dma_wait3A_200 : memref<262144xf32, #tpu.memory_space<vmem_shared>>)
      %dma_wait3A_201 = arith.constant 0 : i32
      %dma_wait3A_202 = tpu.memref_slice %arg6[%add3A_153, %dma_wait3A_201] : memref<64x128xi32, #tpu.memory_space<vmem>> -> memref<1x128xi32, #tpu.memory_space<vmem>>
      %dma_wait3A_203 = tpu.memref_squeeze %dma_wait3A_202 : memref<1x128xi32, #tpu.memory_space<vmem>> -> memref<128xi32, #tpu.memory_space<vmem>>
      %dma_wait3A_204 = arith.constant 0 : i32
      %dma_wait3A_205 = tpu.memref_slice %arg9[%dma_wait3A_204] : memref<262144xf32, #tpu.memory_space<vmem_shared>> -> memref<262144xf32, #tpu.memory_space<vmem_shared>>
      tpu.wait_indirect_dma semaphore(%arg10 : memref<!tpu.dma_semaphore, #tpu.memory_space<semaphore_mem>>) src(%arg7 : memref<128xf32, #tpu.memory_space<vmem>>) dst(%dma_wait3A_205 : memref<262144xf32, #tpu.memory_space<vmem_shared>>)
      %dma_wait3A_206 = arith.constant 0 : i32
      %dma_wait3A_207 = tpu.memref_slice %arg6[%add3A_162, %dma_wait3A_206] : memref<64x128xi32, #tpu.memory_space<vmem>> -> memref<1x128xi32, #tpu.memory_space<vmem>>
      %dma_wait3A_208 = tpu.memref_squeeze %dma_wait3A_207 : memref<1x128xi32, #tpu.memory_space<vmem>> -> memref<128xi32, #tpu.memory_space<vmem>>
      %dma_wait3A_209 = arith.constant 0 : i32
      %dma_wait3A_210 = tpu.memref_slice %arg9[%dma_wait3A_209] : memref<262144xf32, #tpu.memory_space<vmem_shared>> -> memref<262144xf32, #tpu.memory_space<vmem_shared>>
      tpu.wait_indirect_dma semaphore(%arg10 : memref<!tpu.dma_semaphore, #tpu.memory_space<semaphore_mem>>) src(%arg7 : memref<128xf32, #tpu.memory_space<vmem>>) dst(%dma_wait3A_210 : memref<262144xf32, #tpu.memory_space<vmem_shared>>)
      %dma_wait3A_211 = arith.constant 0 : i32
      %dma_wait3A_212 = tpu.memref_slice %arg6[%add3A_171, %dma_wait3A_211] : memref<64x128xi32, #tpu.memory_space<vmem>> -> memref<1x128xi32, #tpu.memory_space<vmem>>
      %dma_wait3A_213 = tpu.memref_squeeze %dma_wait3A_212 : memref<1x128xi32, #tpu.memory_space<vmem>> -> memref<128xi32, #tpu.memory_space<vmem>>
      %dma_wait3A_214 = arith.constant 0 : i32
      %dma_wait3A_215 = tpu.memref_slice %arg9[%dma_wait3A_214] : memref<262144xf32, #tpu.memory_space<vmem_shared>> -> memref<262144xf32, #tpu.memory_space<vmem_shared>>
      tpu.wait_indirect_dma semaphore(%arg10 : memref<!tpu.dma_semaphore, #tpu.memory_space<semaphore_mem>>) src(%arg7 : memref<128xf32, #tpu.memory_space<vmem>>) dst(%dma_wait3A_215 : memref<262144xf32, #tpu.memory_space<vmem_shared>>)
    }
    %scan3A_99 = arith.constant 8 : i32
    %barrier3A_100 = arith.constant 0 : index
    tpu.barrier barrier_id(%barrier3A_100)
    %mul3A_101 = arith.constant 16384 : i32
    %mul3A_102 = arith.muli %arg1, %mul3A_101 : i32
    %mul3A_103 = arith.constant 16384 : i32
    %mul3A_104 = arith.muli %arg1, %mul3A_103 : i32
    "tpu.region"() ({
      %run_scoped3A = tpu.sem_alloc : memref<!tpu.dma_semaphore, #tpu.memory_space<semaphore_mem>>
      %dma_start3A = tpu.memref_slice %arg3[%arg0, %mul3A_104] : memref<2x262144xf32, #tpu.memory_space<hbm>> -> memref<1x16384xf32, #tpu.memory_space<hbm>>
      %dma_start3A_105 = tpu.memref_squeeze %dma_start3A : memref<1x16384xf32, #tpu.memory_space<hbm>> -> memref<16384xf32, #tpu.memory_space<hbm>>
      %dma_start3A_106 = tpu.memref_slice %arg9[%mul3A_102] : memref<262144xf32, #tpu.memory_space<vmem_shared>> -> memref<16384xf32, #tpu.memory_space<vmem_shared>>
      tpu.enqueue_dma source(%dma_start3A_106 : memref<16384xf32, #tpu.memory_space<vmem_shared>>) target(%dma_start3A_105 : memref<16384xf32, #tpu.memory_space<hbm>>) target_semaphore(%run_scoped3A : memref<!tpu.dma_semaphore, #tpu.memory_space<semaphore_mem>>)
      %dma_wait3A = tpu.memref_slice %arg3[%arg0, %mul3A_104] : memref<2x262144xf32, #tpu.memory_space<hbm>> -> memref<1x16384xf32, #tpu.memory_space<hbm>>
      %dma_wait3A_107 = tpu.memref_squeeze %dma_wait3A : memref<1x16384xf32, #tpu.memory_space<hbm>> -> memref<16384xf32, #tpu.memory_space<hbm>>
      %dma_wait3A_108 = tpu.memref_slice %arg9[%mul3A_102] : memref<262144xf32, #tpu.memory_space<vmem_shared>> -> memref<16384xf32, #tpu.memory_space<vmem_shared>>
      tpu.wait_dma2 semaphore(%run_scoped3A : memref<!tpu.dma_semaphore, #tpu.memory_space<semaphore_mem>>) src(%dma_wait3A_108 : memref<16384xf32, #tpu.memory_space<vmem_shared>>) dst(%dma_wait3A_107 : memref<16384xf32, #tpu.memory_space<hbm>>)
      tpu.yield
    }) : () -> ()
    return
  }
}

module attributes {stable_mosaic.version = 14 : i64} {
  func.func @_fused_body(%arg0: i32, %arg1: memref<128x512xf32, #tpu.memory_space<vmem>>, %arg2: memref<32x256xf32, #tpu.memory_space<vmem>>, %arg3: memref<32x1xf32, #tpu.memory_space<vmem>>, %arg4: memref<32x32xf32, #tpu.memory_space<vmem>>, %arg5: memref<32x1xf32, #tpu.memory_space<vmem>>, %arg6: memref<32x64xf32, #tpu.memory_space<vmem>>, %arg7: memref<32x1xf32, #tpu.memory_space<vmem>>, %arg8: memref<32x32xf32, #tpu.memory_space<vmem>>, %arg9: memref<32x1xf32, #tpu.memory_space<vmem>>, %arg10: memref<32x512x128xf32, #tpu.memory_space<any>>, %arg11: memref<1x128xf32, #tpu.memory_space<vmem>>, %arg12: memref<128x512xf32, #tpu.memory_space<vmem>>, %arg13: memref<1x512xf32, #tpu.memory_space<vmem>>, %arg14: memref<2x262144xf32, #tpu.memory_space<vmem>>, %arg15: memref<1x512xf32, #tpu.memory_space<vmem>>, %arg16: memref<32x512xf32, #tpu.memory_space<vmem>>, %arg17: memref<32x65536xf32, #tpu.memory_space<vmem>>, %arg18: memref<32x33xf32, #tpu.memory_space<vmem>>, %arg19: memref<32x512xf32, #tpu.memory_space<vmem>>, %arg20: memref<32x512xf32, #tpu.memory_space<vmem>>, %arg21: memref<32x512x128xf32, #tpu.memory_space<vmem>>, %arg22: memref<!tpu.dma_semaphore, #tpu.memory_space<semaphore_mem>>) attributes {dimension_semantics = [#tpu.dimension_semantics<arbitrary>], iteration_bounds = array<i64: 9>, scalar_prefetch = 0 : i64, scratch_operands = 7 : i64, tpu.core_type = #tpu.core_type<tc>, window_params = [{pipeline_mode = #tpu.pipeline_mode<synchronous>, transform_indices = @transform_0, window_bounds = array<i64: 128, 512>}, {pipeline_mode = #tpu.pipeline_mode<synchronous>, transform_indices = @transform_1, window_bounds = array<i64: 32, 256>}, {pipeline_mode = #tpu.pipeline_mode<synchronous>, transform_indices = @transform_2, window_bounds = array<i64: 32, 1>}, {pipeline_mode = #tpu.pipeline_mode<synchronous>, transform_indices = @transform_3, window_bounds = array<i64: 32, 32>}, {pipeline_mode = #tpu.pipeline_mode<synchronous>, transform_indices = @transform_4, window_bounds = array<i64: 32, 1>}, {pipeline_mode = #tpu.pipeline_mode<synchronous>, transform_indices = @transform_5, window_bounds = array<i64: 32, 64>}, {pipeline_mode = #tpu.pipeline_mode<synchronous>, transform_indices = @transform_6, window_bounds = array<i64: 32, 1>}, {pipeline_mode = #tpu.pipeline_mode<synchronous>, transform_indices = @transform_7, window_bounds = array<i64: 32, 32>}, {pipeline_mode = #tpu.pipeline_mode<synchronous>, transform_indices = @transform_8, window_bounds = array<i64: 32, 1>}, {}, {pipeline_mode = #tpu.pipeline_mode<synchronous>, transform_indices = @transform_10, window_bounds = array<i64: 1, 128>}, {pipeline_mode = #tpu.pipeline_mode<synchronous>, transform_indices = @transform_11, window_bounds = array<i64: 128, 512>}, {pipeline_mode = #tpu.pipeline_mode<synchronous>, transform_indices = @transform_12, window_bounds = array<i64: 1, 512>}, {pipeline_mode = #tpu.pipeline_mode<synchronous>, transform_indices = @transform_13, window_bounds = array<i64: 2, 262144>}, {pipeline_mode = #tpu.pipeline_mode<synchronous>, transform_indices = @transform_14, window_bounds = array<i64: 1, 512>}]} {
    %eq3A = arith.constant 0 : i32
    %eq3A_0 = arith.cmpi eq, %arg0, %eq3A : i32
    %convert_element_type3A = arith.extui %eq3A_0 : i1 to i32
    %cond3A = arith.constant 0 : i32
    %cond3A_1 = arith.cmpi ne, %convert_element_type3A, %cond3A : i32
    scf.if %cond3A_1 {
      tpu.enqueue_dma source(%arg10 : memref<32x512x128xf32, #tpu.memory_space<any>>) target(%arg21 : memref<32x512x128xf32, #tpu.memory_space<vmem>>) target_semaphore(%arg22 : memref<!tpu.dma_semaphore, #tpu.memory_space<semaphore_mem>>)
      %get3A = arith.constant 0 : index
      %get3A_22 = arith.constant 0 : index
      %get3A_23 = vector.load %arg1[%get3A, %get3A_22] : memref<128x512xf32, #tpu.memory_space<vmem>>, vector<128x512xf32>
      %get3A_24 = arith.constant 0 : index
      %get3A_25 = arith.constant 0 : index
      %get3A_26 = vector.load %arg2[%get3A_24, %get3A_25] : memref<32x256xf32, #tpu.memory_space<vmem>>, vector<32x256xf32>
      %slice3A = vector.extract_strided_slice %get3A_26 {offsets = [0, 0], sizes = [32, 128], strides = [1, 1]} : vector<32x256xf32> to vector<32x128xf32>
      %slice3A_27 = vector.extract_strided_slice %get3A_26 {offsets = [0, 128], sizes = [32, 128], strides = [1, 1]} : vector<32x256xf32> to vector<32x128xf32>
      %sub3A = arith.subf %slice3A, %slice3A_27 : vector<32x128xf32>
      %dot_general3A = arith.constant dense<0.000000e+00> : vector<32x512xf32>
      %dot_general3A_28 = tpu.matmul %sub3A, %get3A_23, %dot_general3A {dimension_numbers = #tpu.dot_dimension_numbers<[1], [0], [0], [1], [0, 0, 1, 1], [], []>, transpose_lhs_hint = false} : vector<32x128xf32>, vector<128x512xf32>, vector<32x512xf32> -> vector<32x512xf32>
      %get3A_29 = arith.constant 0 : index
      %get3A_30 = arith.constant 0 : index
      %get3A_31 = vector.load %arg3[%get3A_29, %get3A_30] : memref<32x1xf32, #tpu.memory_space<vmem>>, vector<32x1xf32>
      %add3A = vector.broadcast %get3A_31 : vector<32x1xf32> to vector<32x512xf32>
      %add3A_32 = arith.addf %dot_general3A_28, %add3A : vector<32x512xf32>
      %swap3A = arith.constant 0 : index
      %swap3A_33 = arith.constant 0 : index
      %swap3A_34 = vector.load %arg16[%swap3A, %swap3A_33] : memref<32x512xf32, #tpu.memory_space<vmem>>, vector<32x512xf32>
      tpu.vector_store %arg16[%swap3A, %swap3A_33], %add3A_32 {strides = array<i32>} : memref<32x512xf32, #tpu.memory_space<vmem>>, vector<32x512xf32>,
      %slice3A_35 = vector.extract_strided_slice %get3A_26 {offsets = [0, 128], sizes = [32, 128], strides = [1, 1]} : vector<32x256xf32> to vector<32x128xf32>
      %dot_general3A_36 = arith.constant dense<0.000000e+00> : vector<32x512xf32>
      %dot_general3A_37 = tpu.matmul %slice3A_35, %get3A_23, %dot_general3A_36 {dimension_numbers = #tpu.dot_dimension_numbers<[1], [0], [0], [1], [0, 0, 1, 1], [], []>, transpose_lhs_hint = false} : vector<32x128xf32>, vector<128x512xf32>, vector<32x512xf32> -> vector<32x512xf32>
      %broadcast_in_dim3A = vector.shape_cast %dot_general3A_37 : vector<32x512xf32> to vector<32x512x1xf32>
      %broadcast_in_dim3A_38 = vector.shape_cast %broadcast_in_dim3A : vector<32x512x1xf32> to vector<32x512x1xf32>
      %broadcast_in_dim3A_39 = vector.broadcast %broadcast_in_dim3A_38 : vector<32x512x1xf32> to vector<32x512x128xf32>
      %reshape3A = vector.shape_cast %broadcast_in_dim3A_39 : vector<32x512x128xf32> to vector<32x65536xf32>
      %swap3A_40 = arith.constant 0 : index
      %swap3A_41 = arith.constant 0 : index
      %swap3A_42 = vector.load %arg17[%swap3A_40, %swap3A_41] : memref<32x65536xf32, #tpu.memory_space<vmem>>, vector<32x65536xf32>
      tpu.vector_store %arg17[%swap3A_40, %swap3A_41], %reshape3A {strides = array<i32>} : memref<32x65536xf32, #tpu.memory_space<vmem>>, vector<32x65536xf32>,
      %get3A_43 = arith.constant 0 : index
      %get3A_44 = arith.constant 0 : index
      %get3A_45 = vector.load %arg4[%get3A_43, %get3A_44] : memref<32x32xf32, #tpu.memory_space<vmem>>, vector<32x32xf32>
      %broadcast_in_dim3A_46 = arith.constant 1.000000e+00 : f32
      %broadcast_in_dim3A_47 = vector.broadcast %broadcast_in_dim3A_46 : f32 to vector<32x1xf32>
      %concatenate3A = tpu.concatenate %get3A_45, %broadcast_in_dim3A_47 in 1 : vector<32x32xf32>, vector<32x1xf32> -> vector<32x33xf32>
      %swap3A_48 = arith.constant 0 : index
      %swap3A_49 = arith.constant 0 : index
      %swap3A_50 = vector.load %arg18[%swap3A_48, %swap3A_49] : memref<32x33xf32, #tpu.memory_space<vmem>>, vector<32x33xf32>
      tpu.vector_store %arg18[%swap3A_48, %swap3A_49], %concatenate3A {strides = array<i32>} : memref<32x33xf32, #tpu.memory_space<vmem>>, vector<32x33xf32>,
    } else {
    }
    %lt3A = arith.constant 4 : i32
    %lt3A_2 = arith.cmpi slt, %arg0, %lt3A : i32
    %convert_element_type3A_3 = arith.extui %lt3A_2 : i1 to i32
    %cond3A_4 = arith.constant 0 : i32
    %cond3A_5 = arith.cmpi ne, %convert_element_type3A_3, %cond3A_4 : i32
    scf.if %cond3A_5 {
      %mul3A = arith.constant 128 : i32
      %mul3A_22 = arith.muli %arg0, %mul3A : i32
      %get3A = arith.constant 0 : index
      %get3A_23 = arith.index_cast %mul3A_22 : i32 to index
      %get3A_24 = vector.load %arg16[%get3A, %get3A_23] : memref<32x512xf32, #tpu.memory_space<vmem>>, vector<32x128xf32>
      %tile3A = tpu.concatenate %get3A_24, %get3A_24, %get3A_24, %get3A_24, %get3A_24, %get3A_24, %get3A_24, %get3A_24, %get3A_24, %get3A_24, %get3A_24, %get3A_24, %get3A_24, %get3A_24, %get3A_24, %get3A_24, %get3A_24, %get3A_24, %get3A_24, %get3A_24, %get3A_24, %get3A_24, %get3A_24, %get3A_24, %get3A_24, %get3A_24, %get3A_24, %get3A_24, %get3A_24, %get3A_24, %get3A_24, %get3A_24, %get3A_24, %get3A_24, %get3A_24, %get3A_24, %get3A_24, %get3A_24, %get3A_24, %get3A_24, %get3A_24, %get3A_24, %get3A_24, %get3A_24, %get3A_24, %get3A_24, %get3A_24, %get3A_24, %get3A_24, %get3A_24, %get3A_24, %get3A_24, %get3A_24, %get3A_24, %get3A_24, %get3A_24, %get3A_24, %get3A_24, %get3A_24, %get3A_24, %get3A_24, %get3A_24, %get3A_24, %get3A_24, %get3A_24, %get3A_24, %get3A_24, %get3A_24, %get3A_24, %get3A_24, %get3A_24, %get3A_24, %get3A_24, %get3A_24, %get3A_24, %get3A_24, %get3A_24, %get3A_24, %get3A_24, %get3A_24, %get3A_24, %get3A_24, %get3A_24, %get3A_24, %get3A_24, %get3A_24, %get3A_24, %get3A_24, %get3A_24, %get3A_24, %get3A_24, %get3A_24, %get3A_24, %get3A_24, %get3A_24, %get3A_24, %get3A_24, %get3A_24, %get3A_24, %get3A_24, %get3A_24, %get3A_24, %get3A_24, %get3A_24, %get3A_24, %get3A_24, %get3A_24, %get3A_24, %get3A_24, %get3A_24, %get3A_24, %get3A_24, %get3A_24, %get3A_24, %get3A_24, %get3A_24, %get3A_24, %get3A_24, %get3A_24, %get3A_24, %get3A_24, %get3A_24, %get3A_24, %get3A_24, %get3A_24, %get3A_24, %get3A_24, %get3A_24, %get3A_24, %get3A_24, %get3A_24, %get3A_24, %get3A_24, %get3A_24, %get3A_24, %get3A_24, %get3A_24, %get3A_24, %get3A_24, %get3A_24, %get3A_24, %get3A_24, %get3A_24, %get3A_24, %get3A_24, %get3A_24, %get3A_24, %get3A_24, %get3A_24, %get3A_24, %get3A_24, %get3A_24, %get3A_24, %get3A_24, %get3A_24, %get3A_24, %get3A_24, %get3A_24, %get3A_24, %get3A_24, %get3A_24, %get3A_24, %get3A_24, %get3A_24, %get3A_24, %get3A_24, %get3A_24, %get3A_24, %get3A_24, %get3A_24, %get3A_24, %get3A_24, %get3A_24, %get3A_24, %get3A_24, %get3A_24, %get3A_24, %get3A_24, %get3A_24, %get3A_24, %get3A_24, %get3A_24, %get3A_24, %get3A_24, %get3A_24, %get3A_24, %get3A_24, %get3A_24, %get3A_24, %get3A_24, %get3A_24, %get3A_24, %get3A_24, %get3A_24, %get3A_24, %get3A_24, %get3A_24, %get3A_24, %get3A_24, %get3A_24, %get3A_24, %get3A_24, %get3A_24, %get3A_24, %get3A_24, %get3A_24, %get3A_24, %get3A_24, %get3A_24, %get3A_24, %get3A_24, %get3A_24, %get3A_24, %get3A_24, %get3A_24, %get3A_24, %get3A_24, %get3A_24, %get3A_24, %get3A_24, %get3A_24, %get3A_24, %get3A_24, %get3A_24, %get3A_24, %get3A_24, %get3A_24, %get3A_24, %get3A_24, %get3A_24, %get3A_24, %get3A_24, %get3A_24, %get3A_24, %get3A_24, %get3A_24, %get3A_24, %get3A_24, %get3A_24, %get3A_24, %get3A_24, %get3A_24, %get3A_24, %get3A_24, %get3A_24, %get3A_24, %get3A_24, %get3A_24, %get3A_24, %get3A_24, %get3A_24, %get3A_24, %get3A_24, %get3A_24, %get3A_24, %get3A_24, %get3A_24, %get3A_24, %get3A_24, %get3A_24, %get3A_24, %get3A_24, %get3A_24, %get3A_24, %get3A_24, %get3A_24, %get3A_24, %get3A_24, %get3A_24, %get3A_24, %get3A_24, %get3A_24, %get3A_24, %get3A_24, %get3A_24, %get3A_24, %get3A_24, %get3A_24, %get3A_24, %get3A_24, %get3A_24, %get3A_24, %get3A_24, %get3A_24, %get3A_24, %get3A_24, %get3A_24, %get3A_24, %get3A_24, %get3A_24, %get3A_24, %get3A_24, %get3A_24, %get3A_24, %get3A_24, %get3A_24, %get3A_24, %get3A_24, %get3A_24, %get3A_24, %get3A_24, %get3A_24, %get3A_24, %get3A_24, %get3A_24, %get3A_24, %get3A_24, %get3A_24, %get3A_24, %get3A_24, %get3A_24, %get3A_24, %get3A_24, %get3A_24, %get3A_24, %get3A_24, %get3A_24, %get3A_24, %get3A_24, %get3A_24, %get3A_24, %get3A_24, %get3A_24, %get3A_24, %get3A_24, %get3A_24, %get3A_24, %get3A_24, %get3A_24, %get3A_24, %get3A_24, %get3A_24, %get3A_24, %get3A_24, %get3A_24, %get3A_24, %get3A_24, %get3A_24, %get3A_24, %get3A_24, %get3A_24, %get3A_24, %get3A_24, %get3A_24, %get3A_24, %get3A_24, %get3A_24, %get3A_24, %get3A_24, %get3A_24, %get3A_24, %get3A_24, %get3A_24, %get3A_24, %get3A_24, %get3A_24, %get3A_24, %get3A_24, %get3A_24, %get3A_24, %get3A_24, %get3A_24, %get3A_24, %get3A_24, %get3A_24, %get3A_24, %get3A_24, %get3A_24, %get3A_24, %get3A_24, %get3A_24, %get3A_24, %get3A_24, %get3A_24, %get3A_24, %get3A_24, %get3A_24, %get3A_24, %get3A_24, %get3A_24, %get3A_24, %get3A_24, %get3A_24, %get3A_24, %get3A_24, %get3A_24, %get3A_24, %get3A_24, %get3A_24, %get3A_24, %get3A_24, %get3A_24, %get3A_24, %get3A_24, %get3A_24, %get3A_24, %get3A_24, %get3A_24, %get3A_24, %get3A_24, %get3A_24, %get3A_24, %get3A_24, %get3A_24, %get3A_24, %get3A_24, %get3A_24, %get3A_24, %get3A_24, %get3A_24, %get3A_24, %get3A_24, %get3A_24, %get3A_24, %get3A_24, %get3A_24, %get3A_24, %get3A_24, %get3A_24, %get3A_24, %get3A_24, %get3A_24, %get3A_24, %get3A_24, %get3A_24, %get3A_24, %get3A_24, %get3A_24, %get3A_24, %get3A_24, %get3A_24, %get3A_24, %get3A_24, %get3A_24, %get3A_24, %get3A_24, %get3A_24, %get3A_24, %get3A_24, %get3A_24, %get3A_24, %get3A_24, %get3A_24, %get3A_24, %get3A_24, %get3A_24, %get3A_24, %get3A_24, %get3A_24, %get3A_24, %get3A_24, %get3A_24, %get3A_24, %get3A_24, %get3A_24, %get3A_24, %get3A_24, %get3A_24, %get3A_24, %get3A_24, %get3A_24, %get3A_24, %get3A_24, %get3A_24, %get3A_24, %get3A_24, %get3A_24, %get3A_24, %get3A_24, %get3A_24, %get3A_24, %get3A_24, %get3A_24, %get3A_24, %get3A_24, %get3A_24, %get3A_24, %get3A_24, %get3A_24, %get3A_24, %get3A_24, %get3A_24, %get3A_24, %get3A_24, %get3A_24, %get3A_24, %get3A_24, %get3A_24, %get3A_24, %get3A_24, %get3A_24, %get3A_24, %get3A_24, %get3A_24, %get3A_24, %get3A_24, %get3A_24, %get3A_24, %get3A_24, %get3A_24, %get3A_24, %get3A_24, %get3A_24, %get3A_24, %get3A_24, %get3A_24, %get3A_24, %get3A_24, %get3A_24, %get3A_24, %get3A_24, %get3A_24 in 1 : vector<32x128xf32>, vector<32x128xf32>, vector<32x128xf32>, vector<32x128xf32>, vector<32x128xf32>, vector<32x128xf32>, vector<32x128xf32>, vector<32x128xf32>, vector<32x128xf32>, vector<32x128xf32>, vector<32x128xf32>, vector<32x128xf32>, vector<32x128xf32>, vector<32x128xf32>, vector<32x128xf32>, vector<32x128xf32>, vector<32x128xf32>, vector<32x128xf32>, vector<32x128xf32>, vector<32x128xf32>, vector<32x128xf32>, vector<32x128xf32>, vector<32x128xf32>, vector<32x128xf32>, vector<32x128xf32>, vector<32x128xf32>, vector<32x128xf32>, vector<32x128xf32>, vector<32x128xf32>, vector<32x128xf32>, vector<32x128xf32>, vector<32x128xf32>, vector<32x128xf32>, vector<32x128xf32>, vector<32x128xf32>, vector<32x128xf32>, vector<32x128xf32>, vector<32x128xf32>, vector<32x128xf32>, vector<32x128xf32>, vector<32x128xf32>, vector<32x128xf32>, vector<32x128xf32>, vector<32x128xf32>, vector<32x128xf32>, vector<32x128xf32>, vector<32x128xf32>, vector<32x128xf32>, vector<32x128xf32>, vector<32x128xf32>, vector<32x128xf32>, vector<32x128xf32>, vector<32x128xf32>, vector<32x128xf32>, vector<32x128xf32>, vector<32x128xf32>, vector<32x128xf32>, vector<32x128xf32>, vector<32x128xf32>, vector<32x128xf32>, vector<32x128xf32>, vector<32x128xf32>, vector<32x128xf32>, vector<32x128xf32>, vector<32x128xf32>, vector<32x128xf32>, vector<32x128xf32>, vector<32x128xf32>, vector<32x128xf32>, vector<32x128xf32>, vector<32x128xf32>, vector<32x128xf32>, vector<32x128xf32>, vector<32x128xf32>, vector<32x128xf32>, vector<32x128xf32>, vector<32x128xf32>, vector<32x128xf32>, vector<32x128xf32>, vector<32x128xf32>, vector<32x128xf32>, vector<32x128xf32>, vector<32x128xf32>, vector<32x128xf32>, vector<32x128xf32>, vector<32x128xf32>, vector<32x128xf32>, vector<32x128xf32>, vector<32x128xf32>, vector<32x128xf32>, vector<32x128xf32>, vector<32x128xf32>, vector<32x128xf32>, vector<32x128xf32>, vector<32x128xf32>, vector<32x128xf32>, vector<32x128xf32>, vector<32x128xf32>, vector<32x128xf32>, vector<32x128xf32>, vector<32x128xf32>, vector<32x128xf32>, vector<32x128xf32>, vector<32x128xf32>, vector<32x128xf32>, vector<32x128xf32>, vector<32x128xf32>, vector<32x128xf32>, vector<32x128xf32>, vector<32x128xf32>, vector<32x128xf32>, vector<32x128xf32>, vector<32x128xf32>, vector<32x128xf32>, vector<32x128xf32>, vector<32x128xf32>, vector<32x128xf32>, vector<32x128xf32>, vector<32x128xf32>, vector<32x128xf32>, vector<32x128xf32>, vector<32x128xf32>, vector<32x128xf32>, vector<32x128xf32>, vector<32x128xf32>, vector<32x128xf32>, vector<32x128xf32>, vector<32x128xf32>, vector<32x128xf32>, vector<32x128xf32>, vector<32x128xf32>, vector<32x128xf32>, vector<32x128xf32>, vector<32x128xf32>, vector<32x128xf32>, vector<32x128xf32>, vector<32x128xf32>, vector<32x128xf32>, vector<32x128xf32>, vector<32x128xf32>, vector<32x128xf32>, vector<32x128xf32>, vector<32x128xf32>, vector<32x128xf32>, vector<32x128xf32>, vector<32x128xf32>, vector<32x128xf32>, vector<32x128xf32>, vector<32x128xf32>, vector<32x128xf32>, vector<32x128xf32>, vector<32x128xf32>, vector<32x128xf32>, vector<32x128xf32>, vector<32x128xf32>, vector<32x128xf32>, vector<32x128xf32>, vector<32x128xf32>, vector<32x128xf32>, vector<32x128xf32>, vector<32x128xf32>, vector<32x128xf32>, vector<32x128xf32>, vector<32x128xf32>, vector<32x128xf32>, vector<32x128xf32>, vector<32x128xf32>, vector<32x128xf32>, vector<32x128xf32>, vector<32x128xf32>, vector<32x128xf32>, vector<32x128xf32>, vector<32x128xf32>, vector<32x128xf32>, vector<32x128xf32>, vector<32x128xf32>, vector<32x128xf32>, vector<32x128xf32>, vector<32x128xf32>, vector<32x128xf32>, vector<32x128xf32>, vector<32x128xf32>, vector<32x128xf32>, vector<32x128xf32>, vector<32x128xf32>, vector<32x128xf32>, vector<32x128xf32>, vector<32x128xf32>, vector<32x128xf32>, vector<32x128xf32>, vector<32x128xf32>, vector<32x128xf32>, vector<32x128xf32>, vector<32x128xf32>, vector<32x128xf32>, vector<32x128xf32>, vector<32x128xf32>, vector<32x128xf32>, vector<32x128xf32>, vector<32x128xf32>, vector<32x128xf32>, vector<32x128xf32>, vector<32x128xf32>, vector<32x128xf32>, vector<32x128xf32>, vector<32x128xf32>, vector<32x128xf32>, vector<32x128xf32>, vector<32x128xf32>, vector<32x128xf32>, vector<32x128xf32>, vector<32x128xf32>, vector<32x128xf32>, vector<32x128xf32>, vector<32x128xf32>, vector<32x128xf32>, vector<32x128xf32>, vector<32x128xf32>, vector<32x128xf32>, vector<32x128xf32>, vector<32x128xf32>, vector<32x128xf32>, vector<32x128xf32>, vector<32x128xf32>, vector<32x128xf32>, vector<32x128xf32>, vector<32x128xf32>, vector<32x128xf32>, vector<32x128xf32>, vector<32x128xf32>, vector<32x128xf32>, vector<32x128xf32>, vector<32x128xf32>, vector<32x128xf32>, vector<32x128xf32>, vector<32x128xf32>, vector<32x128xf32>, vector<32x128xf32>, vector<32x128xf32>, vector<32x128xf32>, vector<32x128xf32>, vector<32x128xf32>, vector<32x128xf32>, vector<32x128xf32>, vector<32x128xf32>, vector<32x128xf32>, vector<32x128xf32>, vector<32x128xf32>, vector<32x128xf32>, vector<32x128xf32>, vector<32x128xf32>, vector<32x128xf32>, vector<32x128xf32>, vector<32x128xf32>, vector<32x128xf32>, vector<32x128xf32>, vector<32x128xf32>, vector<32x128xf32>, vector<32x128xf32>, vector<32x128xf32>, vector<32x128xf32>, vector<32x128xf32>, vector<32x128xf32>, vector<32x128xf32>, vector<32x128xf32>, vector<32x128xf32>, vector<32x128xf32>, vector<32x128xf32>, vector<32x128xf32>, vector<32x128xf32>, vector<32x128xf32>, vector<32x128xf32>, vector<32x128xf32>, vector<32x128xf32>, vector<32x128xf32>, vector<32x128xf32>, vector<32x128xf32>, vector<32x128xf32>, vector<32x128xf32>, vector<32x128xf32>, vector<32x128xf32>, vector<32x128xf32>, vector<32x128xf32>, vector<32x128xf32>, vector<32x128xf32>, vector<32x128xf32>, vector<32x128xf32>, vector<32x128xf32>, vector<32x128xf32>, vector<32x128xf32>, vector<32x128xf32>, vector<32x128xf32>, vector<32x128xf32>, vector<32x128xf32>, vector<32x128xf32>, vector<32x128xf32>, vector<32x128xf32>, vector<32x128xf32>, vector<32x128xf32>, vector<32x128xf32>, vector<32x128xf32>, vector<32x128xf32>, vector<32x128xf32>, vector<32x128xf32>, vector<32x128xf32>, vector<32x128xf32>, vector<32x128xf32>, vector<32x128xf32>, vector<32x128xf32>, vector<32x128xf32>, vector<32x128xf32>, vector<32x128xf32>, vector<32x128xf32>, vector<32x128xf32>, vector<32x128xf32>, vector<32x128xf32>, vector<32x128xf32>, vector<32x128xf32>, vector<32x128xf32>, vector<32x128xf32>, vector<32x128xf32>, vector<32x128xf32>, vector<32x128xf32>, vector<32x128xf32>, vector<32x128xf32>, vector<32x128xf32>, vector<32x128xf32>, vector<32x128xf32>, vector<32x128xf32>, vector<32x128xf32>, vector<32x128xf32>, vector<32x128xf32>, vector<32x128xf32>, vector<32x128xf32>, vector<32x128xf32>, vector<32x128xf32>, vector<32x128xf32>, vector<32x128xf32>, vector<32x128xf32>, vector<32x128xf32>, vector<32x128xf32>, vector<32x128xf32>, vector<32x128xf32>, vector<32x128xf32>, vector<32x128xf32>, vector<32x128xf32>, vector<32x128xf32>, vector<32x128xf32>, vector<32x128xf32>, vector<32x128xf32>, vector<32x128xf32>, vector<32x128xf32>, vector<32x128xf32>, vector<32x128xf32>, vector<32x128xf32>, vector<32x128xf32>, vector<32x128xf32>, vector<32x128xf32>, vector<32x128xf32>, vector<32x128xf32>, vector<32x128xf32>, vector<32x128xf32>, vector<32x128xf32>, vector<32x128xf32>, vector<32x128xf32>, vector<32x128xf32>, vector<32x128xf32>, vector<32x128xf32>, vector<32x128xf32>, vector<32x128xf32>, vector<32x128xf32>, vector<32x128xf32>, vector<32x128xf32>, vector<32x128xf32>, vector<32x128xf32>, vector<32x128xf32>, vector<32x128xf32>, vector<32x128xf32>, vector<32x128xf32>, vector<32x128xf32>, vector<32x128xf32>, vector<32x128xf32>, vector<32x128xf32>, vector<32x128xf32>, vector<32x128xf32>, vector<32x128xf32>, vector<32x128xf32>, vector<32x128xf32>, vector<32x128xf32>, vector<32x128xf32>, vector<32x128xf32>, vector<32x128xf32>, vector<32x128xf32>, vector<32x128xf32>, vector<32x128xf32>, vector<32x128xf32>, vector<32x128xf32>, vector<32x128xf32>, vector<32x128xf32>, vector<32x128xf32>, vector<32x128xf32>, vector<32x128xf32>, vector<32x128xf32>, vector<32x128xf32>, vector<32x128xf32>, vector<32x128xf32>, vector<32x128xf32>, vector<32x128xf32>, vector<32x128xf32>, vector<32x128xf32>, vector<32x128xf32>, vector<32x128xf32>, vector<32x128xf32>, vector<32x128xf32>, vector<32x128xf32>, vector<32x128xf32>, vector<32x128xf32>, vector<32x128xf32>, vector<32x128xf32>, vector<32x128xf32>, vector<32x128xf32>, vector<32x128xf32>, vector<32x128xf32>, vector<32x128xf32>, vector<32x128xf32>, vector<32x128xf32>, vector<32x128xf32>, vector<32x128xf32>, vector<32x128xf32>, vector<32x128xf32>, vector<32x128xf32>, vector<32x128xf32>, vector<32x128xf32>, vector<32x128xf32>, vector<32x128xf32>, vector<32x128xf32>, vector<32x128xf32>, vector<32x128xf32>, vector<32x128xf32>, vector<32x128xf32>, vector<32x128xf32>, vector<32x128xf32>, vector<32x128xf32>, vector<32x128xf32>, vector<32x128xf32>, vector<32x128xf32>, vector<32x128xf32>, vector<32x128xf32>, vector<32x128xf32>, vector<32x128xf32>, vector<32x128xf32>, vector<32x128xf32>, vector<32x128xf32>, vector<32x128xf32>, vector<32x128xf32>, vector<32x128xf32>, vector<32x128xf32>, vector<32x128xf32>, vector<32x128xf32>, vector<32x128xf32>, vector<32x128xf32>, vector<32x128xf32>, vector<32x128xf32>, vector<32x128xf32>, vector<32x128xf32>, vector<32x128xf32>, vector<32x128xf32>, vector<32x128xf32>, vector<32x128xf32>, vector<32x128xf32>, vector<32x128xf32>, vector<32x128xf32>, vector<32x128xf32>, vector<32x128xf32>, vector<32x128xf32>, vector<32x128xf32>, vector<32x128xf32>, vector<32x128xf32>, vector<32x128xf32>, vector<32x128xf32>, vector<32x128xf32>, vector<32x128xf32>, vector<32x128xf32>, vector<32x128xf32>, vector<32x128xf32>, vector<32x128xf32>, vector<32x128xf32>, vector<32x128xf32>, vector<32x128xf32>, vector<32x128xf32>, vector<32x128xf32>, vector<32x128xf32>, vector<32x128xf32>, vector<32x128xf32>, vector<32x128xf32>, vector<32x128xf32>, vector<32x128xf32>, vector<32x128xf32>, vector<32x128xf32>, vector<32x128xf32>, vector<32x128xf32>, vector<32x128xf32>, vector<32x128xf32>, vector<32x128xf32>, vector<32x128xf32>, vector<32x128xf32>, vector<32x128xf32>, vector<32x128xf32>, vector<32x128xf32>, vector<32x128xf32>, vector<32x128xf32>, vector<32x128xf32> -> vector<32x65536xf32>
      %get3A_25 = arith.constant 0 : index
      %get3A_26 = arith.constant 0 : index
      %get3A_27 = vector.load %arg17[%get3A_25, %get3A_26] : memref<32x65536xf32, #tpu.memory_space<vmem>>, vector<32x65536xf32>
      %add3A = arith.addf %tile3A, %get3A_27 : vector<32x65536xf32>
      %max3A = arith.constant 0.000000e+00 : f32
      %max3A_28 = vector.broadcast %max3A : f32 to vector<32x65536xf32>
      %max3A_29 = arith.maximumf %add3A, %max3A_28 : vector<32x65536xf32>
      %mul3A_30 = arith.constant 65536 : i32
      %mul3A_31 = arith.muli %arg0, %mul3A_30 : i32
      %get3A_32 = arith.constant 0 : index
      %get3A_33 = arith.index_cast %mul3A_31 : i32 to index
      %get3A_34 = vector.load %arg14[%get3A_32, %get3A_33] : memref<2x262144xf32, #tpu.memory_space<vmem>>, vector<1x65536xf32>
      %mul3A_35 = arith.constant 65536 : i32
      %mul3A_36 = arith.muli %arg0, %mul3A_35 : i32
      %get3A_37 = arith.constant 1 : index
      %get3A_38 = arith.index_cast %mul3A_36 : i32 to index
      %get3A_39 = vector.load %arg14[%get3A_37, %get3A_38] : memref<2x262144xf32, #tpu.memory_space<vmem>>, vector<1x65536xf32>
      %add3A_40 = arith.addf %get3A_34, %get3A_39 : vector<1x65536xf32>
      %gt3A = arith.constant 0.000000e+00 : f32
      %gt3A_41 = vector.broadcast %gt3A : f32 to vector<1x65536xf32>
      %gt3A_42 = arith.cmpf ogt, %add3A_40, %gt3A_41 : vector<1x65536xf32>
      %jit3A = arith.constant 0.000000e+00 : f32
      %jit3A_43 = arith.constant -1.000000e+30 : f32
      %broadcast_in_dim3A = vector.broadcast %jit3A : f32 to vector<1x65536xf32>
      %broadcast_in_dim3A_44 = vector.broadcast %jit3A_43 : f32 to vector<1x65536xf32>
      %select_n3A = arith.select %gt3A_42, %broadcast_in_dim3A, %broadcast_in_dim3A_44 : vector<1x65536xi1>, vector<1x65536xf32>
      %concatenate3A = tpu.concatenate %max3A_29, %select_n3A in 0 : vector<32x65536xf32>, vector<1x65536xf32> -> vector<33x65536xf32>
      %get3A_45 = arith.constant 0 : index
      %get3A_46 = arith.constant 0 : index
      %get3A_47 = vector.load %arg18[%get3A_45, %get3A_46] : memref<32x33xf32, #tpu.memory_space<vmem>>, vector<32x33xf32>
      %dot_general3A = arith.constant dense<0.000000e+00> : vector<32x65536xf32>
      %dot_general3A_48 = tpu.matmul %get3A_47, %concatenate3A, %dot_general3A {dimension_numbers = #tpu.dot_dimension_numbers<[1], [0], [0], [1], [0, 0, 1, 1], [], []>, transpose_lhs_hint = false} : vector<32x33xf32>, vector<33x65536xf32>, vector<32x65536xf32> -> vector<32x65536xf32>
      %slice3A = vector.extract_strided_slice %dot_general3A_48 {offsets = [0, 0], sizes = [32, 32768], strides = [1, 1]} : vector<32x65536xf32> to vector<32x32768xf32>
      %slice3A_49 = vector.extract_strided_slice %dot_general3A_48 {offsets = [0, 32768], sizes = [32, 32768], strides = [1, 1]} : vector<32x65536xf32> to vector<32x32768xf32>
      %max3A_50 = arith.maximumf %slice3A, %slice3A_49 : vector<32x32768xf32>
      %slice3A_51 = vector.extract_strided_slice %max3A_50 {offsets = [0, 0], sizes = [32, 16384], strides = [1, 1]} : vector<32x32768xf32> to vector<32x16384xf32>
      %slice3A_52 = vector.extract_strided_slice %max3A_50 {offsets = [0, 16384], sizes = [32, 16384], strides = [1, 1]} : vector<32x32768xf32> to vector<32x16384xf32>
      %max3A_53 = arith.maximumf %slice3A_51, %slice3A_52 : vector<32x16384xf32>
      %slice3A_54 = vector.extract_strided_slice %max3A_53 {offsets = [0, 0], sizes = [32, 8192], strides = [1, 1]} : vector<32x16384xf32> to vector<32x8192xf32>
      %slice3A_55 = vector.extract_strided_slice %max3A_53 {offsets = [0, 8192], sizes = [32, 8192], strides = [1, 1]} : vector<32x16384xf32> to vector<32x8192xf32>
      %max3A_56 = arith.maximumf %slice3A_54, %slice3A_55 : vector<32x8192xf32>
      %slice3A_57 = vector.extract_strided_slice %max3A_56 {offsets = [0, 0], sizes = [32, 4096], strides = [1, 1]} : vector<32x8192xf32> to vector<32x4096xf32>
      %slice3A_58 = vector.extract_strided_slice %max3A_56 {offsets = [0, 4096], sizes = [32, 4096], strides = [1, 1]} : vector<32x8192xf32> to vector<32x4096xf32>
      %max3A_59 = arith.maximumf %slice3A_57, %slice3A_58 : vector<32x4096xf32>
      %slice3A_60 = vector.extract_strided_slice %max3A_59 {offsets = [0, 0], sizes = [32, 2048], strides = [1, 1]} : vector<32x4096xf32> to vector<32x2048xf32>
      %slice3A_61 = vector.extract_strided_slice %max3A_59 {offsets = [0, 2048], sizes = [32, 2048], strides = [1, 1]} : vector<32x4096xf32> to vector<32x2048xf32>
      %max3A_62 = arith.maximumf %slice3A_60, %slice3A_61 : vector<32x2048xf32>
      %slice3A_63 = vector.extract_strided_slice %max3A_62 {offsets = [0, 0], sizes = [32, 1024], strides = [1, 1]} : vector<32x2048xf32> to vector<32x1024xf32>
      %slice3A_64 = vector.extract_strided_slice %max3A_62 {offsets = [0, 1024], sizes = [32, 1024], strides = [1, 1]} : vector<32x2048xf32> to vector<32x1024xf32>
      %max3A_65 = arith.maximumf %slice3A_63, %slice3A_64 : vector<32x1024xf32>
      %slice3A_66 = vector.extract_strided_slice %max3A_65 {offsets = [0, 0], sizes = [32, 512], strides = [1, 1]} : vector<32x1024xf32> to vector<32x512xf32>
      %slice3A_67 = vector.extract_strided_slice %max3A_65 {offsets = [0, 512], sizes = [32, 512], strides = [1, 1]} : vector<32x1024xf32> to vector<32x512xf32>
      %max3A_68 = arith.maximumf %slice3A_66, %slice3A_67 : vector<32x512xf32>
      %slice3A_69 = vector.extract_strided_slice %max3A_68 {offsets = [0, 0], sizes = [32, 256], strides = [1, 1]} : vector<32x512xf32> to vector<32x256xf32>
      %slice3A_70 = vector.extract_strided_slice %max3A_68 {offsets = [0, 256], sizes = [32, 256], strides = [1, 1]} : vector<32x512xf32> to vector<32x256xf32>
      %max3A_71 = arith.maximumf %slice3A_69, %slice3A_70 : vector<32x256xf32>
      %slice3A_72 = vector.extract_strided_slice %max3A_71 {offsets = [0, 0], sizes = [32, 128], strides = [1, 1]} : vector<32x256xf32> to vector<32x128xf32>
      %slice3A_73 = vector.extract_strided_slice %max3A_71 {offsets = [0, 128], sizes = [32, 128], strides = [1, 1]} : vector<32x256xf32> to vector<32x128xf32>
      %max3A_74 = arith.maximumf %slice3A_72, %slice3A_73 : vector<32x128xf32>
      %get3A_75 = arith.constant 0 : index
      %get3A_76 = arith.constant 0 : index
      %get3A_77 = vector.load %arg5[%get3A_75, %get3A_76] : memref<32x1xf32, #tpu.memory_space<vmem>>, vector<32x1xf32>
      %add3A_78 = vector.broadcast %get3A_77 : vector<32x1xf32> to vector<32x128xf32>
      %add3A_79 = arith.addf %max3A_74, %add3A_78 : vector<32x128xf32>
      %max3A_80 = arith.constant 0.000000e+00 : f32
      %max3A_81 = vector.broadcast %max3A_80 : f32 to vector<32x128xf32>
      %max3A_82 = arith.maximumf %add3A_79, %max3A_81 : vector<32x128xf32>
      %mul3A_83 = arith.constant 128 : i32
      %mul3A_84 = arith.muli %arg0, %mul3A_83 : i32
      %swap3A = arith.constant 0 : index
      %swap3A_85 = arith.index_cast %mul3A_84 : i32 to index
      %swap3A_86 = vector.load %arg19[%swap3A, %swap3A_85] : memref<32x512xf32, #tpu.memory_space<vmem>>, vector<32x128xf32>
      tpu.vector_store %arg19[%swap3A, %swap3A_85], %max3A_82 {strides = array<i32>} : memref<32x512xf32, #tpu.memory_space<vmem>>, vector<32x128xf32>,
    } else {
    }
    %eq3A_6 = arith.constant 4 : i32
    %eq3A_7 = arith.cmpi eq, %arg0, %eq3A_6 : i32
    %convert_element_type3A_8 = arith.extui %eq3A_7 : i1 to i32
    %cond3A_9 = arith.constant 0 : i32
    %cond3A_10 = arith.cmpi ne, %convert_element_type3A_8, %cond3A_9 : i32
    scf.if %cond3A_10 {
      %get3A = arith.constant 0 : index
      %get3A_22 = arith.constant 0 : index
      %get3A_23 = vector.load %arg19[%get3A, %get3A_22] : memref<32x512xf32, #tpu.memory_space<vmem>>, vector<32x512xf32>
      %get3A_24 = arith.constant 0 : index
      %get3A_25 = arith.constant 0 : index
      %get3A_26 = vector.load %arg6[%get3A_24, %get3A_25] : memref<32x64xf32, #tpu.memory_space<vmem>>, vector<32x64xf32>
      %slice3A = vector.extract_strided_slice %get3A_26 {offsets = [0, 0], sizes = [32, 32], strides = [1, 1]} : vector<32x64xf32> to vector<32x32xf32>
      %slice3A_27 = vector.extract_strided_slice %get3A_26 {offsets = [0, 32], sizes = [32, 32], strides = [1, 1]} : vector<32x64xf32> to vector<32x32xf32>
      %sub3A = arith.subf %slice3A, %slice3A_27 : vector<32x32xf32>
      %dot_general3A = arith.constant dense<0.000000e+00> : vector<32x512xf32>
      %dot_general3A_28 = tpu.matmul %sub3A, %get3A_23, %dot_general3A {dimension_numbers = #tpu.dot_dimension_numbers<[1], [0], [0], [1], [0, 0, 1, 1], [], []>, transpose_lhs_hint = false} : vector<32x32xf32>, vector<32x512xf32>, vector<32x512xf32> -> vector<32x512xf32>
      %get3A_29 = arith.constant 0 : index
      %get3A_30 = arith.constant 0 : index
      %get3A_31 = vector.load %arg7[%get3A_29, %get3A_30] : memref<32x1xf32, #tpu.memory_space<vmem>>, vector<32x1xf32>
      %add3A = vector.broadcast %get3A_31 : vector<32x1xf32> to vector<32x512xf32>
      %add3A_32 = arith.addf %dot_general3A_28, %add3A : vector<32x512xf32>
      %swap3A = arith.constant 0 : index
      %swap3A_33 = arith.constant 0 : index
      %swap3A_34 = vector.load %arg16[%swap3A, %swap3A_33] : memref<32x512xf32, #tpu.memory_space<vmem>>, vector<32x512xf32>
      tpu.vector_store %arg16[%swap3A, %swap3A_33], %add3A_32 {strides = array<i32>} : memref<32x512xf32, #tpu.memory_space<vmem>>, vector<32x512xf32>,
      %slice3A_35 = vector.extract_strided_slice %get3A_26 {offsets = [0, 32], sizes = [32, 32], strides = [1, 1]} : vector<32x64xf32> to vector<32x32xf32>
      %dot_general3A_36 = arith.constant dense<0.000000e+00> : vector<32x512xf32>
      %dot_general3A_37 = tpu.matmul %slice3A_35, %get3A_23, %dot_general3A_36 {dimension_numbers = #tpu.dot_dimension_numbers<[1], [0], [0], [1], [0, 0, 1, 1], [], []>, transpose_lhs_hint = false} : vector<32x32xf32>, vector<32x512xf32>, vector<32x512xf32> -> vector<32x512xf32>
      %broadcast_in_dim3A = vector.shape_cast %dot_general3A_37 : vector<32x512xf32> to vector<32x512x1xf32>
      %broadcast_in_dim3A_38 = vector.shape_cast %broadcast_in_dim3A : vector<32x512x1xf32> to vector<32x512x1xf32>
      %broadcast_in_dim3A_39 = vector.broadcast %broadcast_in_dim3A_38 : vector<32x512x1xf32> to vector<32x512x128xf32>
      %reshape3A = vector.shape_cast %broadcast_in_dim3A_39 : vector<32x512x128xf32> to vector<32x65536xf32>
      %swap3A_40 = arith.constant 0 : index
      %swap3A_41 = arith.constant 0 : index
      %swap3A_42 = vector.load %arg17[%swap3A_40, %swap3A_41] : memref<32x65536xf32, #tpu.memory_space<vmem>>, vector<32x65536xf32>
      tpu.vector_store %arg17[%swap3A_40, %swap3A_41], %reshape3A {strides = array<i32>} : memref<32x65536xf32, #tpu.memory_space<vmem>>, vector<32x65536xf32>,
      %get3A_43 = arith.constant 0 : index
      %get3A_44 = arith.constant 0 : index
      %get3A_45 = vector.load %arg8[%get3A_43, %get3A_44] : memref<32x32xf32, #tpu.memory_space<vmem>>, vector<32x32xf32>
      %broadcast_in_dim3A_46 = arith.constant 1.000000e+00 : f32
      %broadcast_in_dim3A_47 = vector.broadcast %broadcast_in_dim3A_46 : f32 to vector<32x1xf32>
      %concatenate3A = tpu.concatenate %get3A_45, %broadcast_in_dim3A_47 in 1 : vector<32x32xf32>, vector<32x1xf32> -> vector<32x33xf32>
      %swap3A_48 = arith.constant 0 : index
      %swap3A_49 = arith.constant 0 : index
      %swap3A_50 = vector.load %arg18[%swap3A_48, %swap3A_49] : memref<32x33xf32, #tpu.memory_space<vmem>>, vector<32x33xf32>
      tpu.vector_store %arg18[%swap3A_48, %swap3A_49], %concatenate3A {strides = array<i32>} : memref<32x33xf32, #tpu.memory_space<vmem>>, vector<32x33xf32>,
    } else {
    }
    %ge3A = arith.constant 4 : i32
    %ge3A_11 = arith.cmpi sge, %arg0, %ge3A : i32
    %lt3A_12 = arith.constant 8 : i32
    %lt3A_13 = arith.cmpi slt, %arg0, %lt3A_12 : i32
    %and3A = arith.andi %ge3A_11, %lt3A_13 : i1
    %convert_element_type3A_14 = arith.extui %and3A : i1 to i32
    %cond3A_15 = arith.constant 0 : i32
    %cond3A_16 = arith.cmpi ne, %convert_element_type3A_14, %cond3A_15 : i32
    scf.if %cond3A_16 {
      %sub3A = arith.constant 4 : i32
      %sub3A_22 = arith.subi %arg0, %sub3A : i32
      %mul3A = arith.constant 128 : i32
      %mul3A_23 = arith.muli %sub3A_22, %mul3A : i32
      %get3A = arith.constant 0 : index
      %get3A_24 = arith.index_cast %mul3A_23 : i32 to index
      %get3A_25 = vector.load %arg16[%get3A, %get3A_24] : memref<32x512xf32, #tpu.memory_space<vmem>>, vector<32x128xf32>
      %tile3A = tpu.concatenate %get3A_25, %get3A_25, %get3A_25, %get3A_25, %get3A_25, %get3A_25, %get3A_25, %get3A_25, %get3A_25, %get3A_25, %get3A_25, %get3A_25, %get3A_25, %get3A_25, %get3A_25, %get3A_25, %get3A_25, %get3A_25, %get3A_25, %get3A_25, %get3A_25, %get3A_25, %get3A_25, %get3A_25, %get3A_25, %get3A_25, %get3A_25, %get3A_25, %get3A_25, %get3A_25, %get3A_25, %get3A_25, %get3A_25, %get3A_25, %get3A_25, %get3A_25, %get3A_25, %get3A_25, %get3A_25, %get3A_25, %get3A_25, %get3A_25, %get3A_25, %get3A_25, %get3A_25, %get3A_25, %get3A_25, %get3A_25, %get3A_25, %get3A_25, %get3A_25, %get3A_25, %get3A_25, %get3A_25, %get3A_25, %get3A_25, %get3A_25, %get3A_25, %get3A_25, %get3A_25, %get3A_25, %get3A_25, %get3A_25, %get3A_25, %get3A_25, %get3A_25, %get3A_25, %get3A_25, %get3A_25, %get3A_25, %get3A_25, %get3A_25, %get3A_25, %get3A_25, %get3A_25, %get3A_25, %get3A_25, %get3A_25, %get3A_25, %get3A_25, %get3A_25, %get3A_25, %get3A_25, %get3A_25, %get3A_25, %get3A_25, %get3A_25, %get3A_25, %get3A_25, %get3A_25, %get3A_25, %get3A_25, %get3A_25, %get3A_25, %get3A_25, %get3A_25, %get3A_25, %get3A_25, %get3A_25, %get3A_25, %get3A_25, %get3A_25, %get3A_25, %get3A_25, %get3A_25, %get3A_25, %get3A_25, %get3A_25, %get3A_25, %get3A_25, %get3A_25, %get3A_25, %get3A_25, %get3A_25, %get3A_25, %get3A_25, %get3A_25, %get3A_25, %get3A_25, %get3A_25, %get3A_25, %get3A_25, %get3A_25, %get3A_25, %get3A_25, %get3A_25, %get3A_25, %get3A_25, %get3A_25, %get3A_25, %get3A_25, %get3A_25, %get3A_25, %get3A_25, %get3A_25, %get3A_25, %get3A_25, %get3A_25, %get3A_25, %get3A_25, %get3A_25, %get3A_25, %get3A_25, %get3A_25, %get3A_25, %get3A_25, %get3A_25, %get3A_25, %get3A_25, %get3A_25, %get3A_25, %get3A_25, %get3A_25, %get3A_25, %get3A_25, %get3A_25, %get3A_25, %get3A_25, %get3A_25, %get3A_25, %get3A_25, %get3A_25, %get3A_25, %get3A_25, %get3A_25, %get3A_25, %get3A_25, %get3A_25, %get3A_25, %get3A_25, %get3A_25, %get3A_25, %get3A_25, %get3A_25, %get3A_25, %get3A_25, %get3A_25, %get3A_25, %get3A_25, %get3A_25, %get3A_25, %get3A_25, %get3A_25, %get3A_25, %get3A_25, %get3A_25, %get3A_25, %get3A_25, %get3A_25, %get3A_25, %get3A_25, %get3A_25, %get3A_25, %get3A_25, %get3A_25, %get3A_25, %get3A_25, %get3A_25, %get3A_25, %get3A_25, %get3A_25, %get3A_25, %get3A_25, %get3A_25, %get3A_25, %get3A_25, %get3A_25, %get3A_25, %get3A_25, %get3A_25, %get3A_25, %get3A_25, %get3A_25, %get3A_25, %get3A_25, %get3A_25, %get3A_25, %get3A_25, %get3A_25, %get3A_25, %get3A_25, %get3A_25, %get3A_25, %get3A_25, %get3A_25, %get3A_25, %get3A_25, %get3A_25, %get3A_25, %get3A_25, %get3A_25, %get3A_25, %get3A_25, %get3A_25, %get3A_25, %get3A_25, %get3A_25, %get3A_25, %get3A_25, %get3A_25, %get3A_25, %get3A_25, %get3A_25, %get3A_25, %get3A_25, %get3A_25, %get3A_25, %get3A_25, %get3A_25, %get3A_25, %get3A_25, %get3A_25, %get3A_25, %get3A_25, %get3A_25, %get3A_25, %get3A_25, %get3A_25, %get3A_25, %get3A_25, %get3A_25, %get3A_25, %get3A_25, %get3A_25, %get3A_25, %get3A_25, %get3A_25, %get3A_25, %get3A_25, %get3A_25, %get3A_25, %get3A_25, %get3A_25, %get3A_25, %get3A_25, %get3A_25, %get3A_25, %get3A_25, %get3A_25, %get3A_25, %get3A_25, %get3A_25, %get3A_25, %get3A_25, %get3A_25, %get3A_25, %get3A_25, %get3A_25, %get3A_25, %get3A_25, %get3A_25, %get3A_25, %get3A_25, %get3A_25, %get3A_25, %get3A_25, %get3A_25, %get3A_25, %get3A_25, %get3A_25, %get3A_25, %get3A_25, %get3A_25, %get3A_25, %get3A_25, %get3A_25, %get3A_25, %get3A_25, %get3A_25, %get3A_25, %get3A_25, %get3A_25, %get3A_25, %get3A_25, %get3A_25, %get3A_25, %get3A_25, %get3A_25, %get3A_25, %get3A_25, %get3A_25, %get3A_25, %get3A_25, %get3A_25, %get3A_25, %get3A_25, %get3A_25, %get3A_25, %get3A_25, %get3A_25, %get3A_25, %get3A_25, %get3A_25, %get3A_25, %get3A_25, %get3A_25, %get3A_25, %get3A_25, %get3A_25, %get3A_25, %get3A_25, %get3A_25, %get3A_25, %get3A_25, %get3A_25, %get3A_25, %get3A_25, %get3A_25, %get3A_25, %get3A_25, %get3A_25, %get3A_25, %get3A_25, %get3A_25, %get3A_25, %get3A_25, %get3A_25, %get3A_25, %get3A_25, %get3A_25, %get3A_25, %get3A_25, %get3A_25, %get3A_25, %get3A_25, %get3A_25, %get3A_25, %get3A_25, %get3A_25, %get3A_25, %get3A_25, %get3A_25, %get3A_25, %get3A_25, %get3A_25, %get3A_25, %get3A_25, %get3A_25, %get3A_25, %get3A_25, %get3A_25, %get3A_25, %get3A_25, %get3A_25, %get3A_25, %get3A_25, %get3A_25, %get3A_25, %get3A_25, %get3A_25, %get3A_25, %get3A_25, %get3A_25, %get3A_25, %get3A_25, %get3A_25, %get3A_25, %get3A_25, %get3A_25, %get3A_25, %get3A_25, %get3A_25, %get3A_25, %get3A_25, %get3A_25, %get3A_25, %get3A_25, %get3A_25, %get3A_25, %get3A_25, %get3A_25, %get3A_25, %get3A_25, %get3A_25, %get3A_25, %get3A_25, %get3A_25, %get3A_25, %get3A_25, %get3A_25, %get3A_25, %get3A_25, %get3A_25, %get3A_25, %get3A_25, %get3A_25, %get3A_25, %get3A_25, %get3A_25, %get3A_25, %get3A_25, %get3A_25, %get3A_25, %get3A_25, %get3A_25, %get3A_25, %get3A_25, %get3A_25, %get3A_25, %get3A_25, %get3A_25, %get3A_25, %get3A_25, %get3A_25, %get3A_25, %get3A_25, %get3A_25, %get3A_25, %get3A_25, %get3A_25, %get3A_25, %get3A_25, %get3A_25, %get3A_25, %get3A_25, %get3A_25, %get3A_25, %get3A_25, %get3A_25, %get3A_25, %get3A_25, %get3A_25, %get3A_25, %get3A_25, %get3A_25, %get3A_25, %get3A_25, %get3A_25, %get3A_25, %get3A_25, %get3A_25, %get3A_25, %get3A_25, %get3A_25, %get3A_25, %get3A_25, %get3A_25, %get3A_25, %get3A_25, %get3A_25, %get3A_25, %get3A_25, %get3A_25, %get3A_25, %get3A_25, %get3A_25, %get3A_25, %get3A_25, %get3A_25, %get3A_25, %get3A_25, %get3A_25, %get3A_25, %get3A_25, %get3A_25, %get3A_25, %get3A_25, %get3A_25, %get3A_25, %get3A_25, %get3A_25, %get3A_25, %get3A_25, %get3A_25, %get3A_25, %get3A_25, %get3A_25, %get3A_25, %get3A_25, %get3A_25, %get3A_25, %get3A_25 in 1 : vector<32x128xf32>, vector<32x128xf32>, vector<32x128xf32>, vector<32x128xf32>, vector<32x128xf32>, vector<32x128xf32>, vector<32x128xf32>, vector<32x128xf32>, vector<32x128xf32>, vector<32x128xf32>, vector<32x128xf32>, vector<32x128xf32>, vector<32x128xf32>, vector<32x128xf32>, vector<32x128xf32>, vector<32x128xf32>, vector<32x128xf32>, vector<32x128xf32>, vector<32x128xf32>, vector<32x128xf32>, vector<32x128xf32>, vector<32x128xf32>, vector<32x128xf32>, vector<32x128xf32>, vector<32x128xf32>, vector<32x128xf32>, vector<32x128xf32>, vector<32x128xf32>, vector<32x128xf32>, vector<32x128xf32>, vector<32x128xf32>, vector<32x128xf32>, vector<32x128xf32>, vector<32x128xf32>, vector<32x128xf32>, vector<32x128xf32>, vector<32x128xf32>, vector<32x128xf32>, vector<32x128xf32>, vector<32x128xf32>, vector<32x128xf32>, vector<32x128xf32>, vector<32x128xf32>, vector<32x128xf32>, vector<32x128xf32>, vector<32x128xf32>, vector<32x128xf32>, vector<32x128xf32>, vector<32x128xf32>, vector<32x128xf32>, vector<32x128xf32>, vector<32x128xf32>, vector<32x128xf32>, vector<32x128xf32>, vector<32x128xf32>, vector<32x128xf32>, vector<32x128xf32>, vector<32x128xf32>, vector<32x128xf32>, vector<32x128xf32>, vector<32x128xf32>, vector<32x128xf32>, vector<32x128xf32>, vector<32x128xf32>, vector<32x128xf32>, vector<32x128xf32>, vector<32x128xf32>, vector<32x128xf32>, vector<32x128xf32>, vector<32x128xf32>, vector<32x128xf32>, vector<32x128xf32>, vector<32x128xf32>, vector<32x128xf32>, vector<32x128xf32>, vector<32x128xf32>, vector<32x128xf32>, vector<32x128xf32>, vector<32x128xf32>, vector<32x128xf32>, vector<32x128xf32>, vector<32x128xf32>, vector<32x128xf32>, vector<32x128xf32>, vector<32x128xf32>, vector<32x128xf32>, vector<32x128xf32>, vector<32x128xf32>, vector<32x128xf32>, vector<32x128xf32>, vector<32x128xf32>, vector<32x128xf32>, vector<32x128xf32>, vector<32x128xf32>, vector<32x128xf32>, vector<32x128xf32>, vector<32x128xf32>, vector<32x128xf32>, vector<32x128xf32>, vector<32x128xf32>, vector<32x128xf32>, vector<32x128xf32>, vector<32x128xf32>, vector<32x128xf32>, vector<32x128xf32>, vector<32x128xf32>, vector<32x128xf32>, vector<32x128xf32>, vector<32x128xf32>, vector<32x128xf32>, vector<32x128xf32>, vector<32x128xf32>, vector<32x128xf32>, vector<32x128xf32>, vector<32x128xf32>, vector<32x128xf32>, vector<32x128xf32>, vector<32x128xf32>, vector<32x128xf32>, vector<32x128xf32>, vector<32x128xf32>, vector<32x128xf32>, vector<32x128xf32>, vector<32x128xf32>, vector<32x128xf32>, vector<32x128xf32>, vector<32x128xf32>, vector<32x128xf32>, vector<32x128xf32>, vector<32x128xf32>, vector<32x128xf32>, vector<32x128xf32>, vector<32x128xf32>, vector<32x128xf32>, vector<32x128xf32>, vector<32x128xf32>, vector<32x128xf32>, vector<32x128xf32>, vector<32x128xf32>, vector<32x128xf32>, vector<32x128xf32>, vector<32x128xf32>, vector<32x128xf32>, vector<32x128xf32>, vector<32x128xf32>, vector<32x128xf32>, vector<32x128xf32>, vector<32x128xf32>, vector<32x128xf32>, vector<32x128xf32>, vector<32x128xf32>, vector<32x128xf32>, vector<32x128xf32>, vector<32x128xf32>, vector<32x128xf32>, vector<32x128xf32>, vector<32x128xf32>, vector<32x128xf32>, vector<32x128xf32>, vector<32x128xf32>, vector<32x128xf32>, vector<32x128xf32>, vector<32x128xf32>, vector<32x128xf32>, vector<32x128xf32>, vector<32x128xf32>, vector<32x128xf32>, vector<32x128xf32>, vector<32x128xf32>, vector<32x128xf32>, vector<32x128xf32>, vector<32x128xf32>, vector<32x128xf32>, vector<32x128xf32>, vector<32x128xf32>, vector<32x128xf32>, vector<32x128xf32>, vector<32x128xf32>, vector<32x128xf32>, vector<32x128xf32>, vector<32x128xf32>, vector<32x128xf32>, vector<32x128xf32>, vector<32x128xf32>, vector<32x128xf32>, vector<32x128xf32>, vector<32x128xf32>, vector<32x128xf32>, vector<32x128xf32>, vector<32x128xf32>, vector<32x128xf32>, vector<32x128xf32>, vector<32x128xf32>, vector<32x128xf32>, vector<32x128xf32>, vector<32x128xf32>, vector<32x128xf32>, vector<32x128xf32>, vector<32x128xf32>, vector<32x128xf32>, vector<32x128xf32>, vector<32x128xf32>, vector<32x128xf32>, vector<32x128xf32>, vector<32x128xf32>, vector<32x128xf32>, vector<32x128xf32>, vector<32x128xf32>, vector<32x128xf32>, vector<32x128xf32>, vector<32x128xf32>, vector<32x128xf32>, vector<32x128xf32>, vector<32x128xf32>, vector<32x128xf32>, vector<32x128xf32>, vector<32x128xf32>, vector<32x128xf32>, vector<32x128xf32>, vector<32x128xf32>, vector<32x128xf32>, vector<32x128xf32>, vector<32x128xf32>, vector<32x128xf32>, vector<32x128xf32>, vector<32x128xf32>, vector<32x128xf32>, vector<32x128xf32>, vector<32x128xf32>, vector<32x128xf32>, vector<32x128xf32>, vector<32x128xf32>, vector<32x128xf32>, vector<32x128xf32>, vector<32x128xf32>, vector<32x128xf32>, vector<32x128xf32>, vector<32x128xf32>, vector<32x128xf32>, vector<32x128xf32>, vector<32x128xf32>, vector<32x128xf32>, vector<32x128xf32>, vector<32x128xf32>, vector<32x128xf32>, vector<32x128xf32>, vector<32x128xf32>, vector<32x128xf32>, vector<32x128xf32>, vector<32x128xf32>, vector<32x128xf32>, vector<32x128xf32>, vector<32x128xf32>, vector<32x128xf32>, vector<32x128xf32>, vector<32x128xf32>, vector<32x128xf32>, vector<32x128xf32>, vector<32x128xf32>, vector<32x128xf32>, vector<32x128xf32>, vector<32x128xf32>, vector<32x128xf32>, vector<32x128xf32>, vector<32x128xf32>, vector<32x128xf32>, vector<32x128xf32>, vector<32x128xf32>, vector<32x128xf32>, vector<32x128xf32>, vector<32x128xf32>, vector<32x128xf32>, vector<32x128xf32>, vector<32x128xf32>, vector<32x128xf32>, vector<32x128xf32>, vector<32x128xf32>, vector<32x128xf32>, vector<32x128xf32>, vector<32x128xf32>, vector<32x128xf32>, vector<32x128xf32>, vector<32x128xf32>, vector<32x128xf32>, vector<32x128xf32>, vector<32x128xf32>, vector<32x128xf32>, vector<32x128xf32>, vector<32x128xf32>, vector<32x128xf32>, vector<32x128xf32>, vector<32x128xf32>, vector<32x128xf32>, vector<32x128xf32>, vector<32x128xf32>, vector<32x128xf32>, vector<32x128xf32>, vector<32x128xf32>, vector<32x128xf32>, vector<32x128xf32>, vector<32x128xf32>, vector<32x128xf32>, vector<32x128xf32>, vector<32x128xf32>, vector<32x128xf32>, vector<32x128xf32>, vector<32x128xf32>, vector<32x128xf32>, vector<32x128xf32>, vector<32x128xf32>, vector<32x128xf32>, vector<32x128xf32>, vector<32x128xf32>, vector<32x128xf32>, vector<32x128xf32>, vector<32x128xf32>, vector<32x128xf32>, vector<32x128xf32>, vector<32x128xf32>, vector<32x128xf32>, vector<32x128xf32>, vector<32x128xf32>, vector<32x128xf32>, vector<32x128xf32>, vector<32x128xf32>, vector<32x128xf32>, vector<32x128xf32>, vector<32x128xf32>, vector<32x128xf32>, vector<32x128xf32>, vector<32x128xf32>, vector<32x128xf32>, vector<32x128xf32>, vector<32x128xf32>, vector<32x128xf32>, vector<32x128xf32>, vector<32x128xf32>, vector<32x128xf32>, vector<32x128xf32>, vector<32x128xf32>, vector<32x128xf32>, vector<32x128xf32>, vector<32x128xf32>, vector<32x128xf32>, vector<32x128xf32>, vector<32x128xf32>, vector<32x128xf32>, vector<32x128xf32>, vector<32x128xf32>, vector<32x128xf32>, vector<32x128xf32>, vector<32x128xf32>, vector<32x128xf32>, vector<32x128xf32>, vector<32x128xf32>, vector<32x128xf32>, vector<32x128xf32>, vector<32x128xf32>, vector<32x128xf32>, vector<32x128xf32>, vector<32x128xf32>, vector<32x128xf32>, vector<32x128xf32>, vector<32x128xf32>, vector<32x128xf32>, vector<32x128xf32>, vector<32x128xf32>, vector<32x128xf32>, vector<32x128xf32>, vector<32x128xf32>, vector<32x128xf32>, vector<32x128xf32>, vector<32x128xf32>, vector<32x128xf32>, vector<32x128xf32>, vector<32x128xf32>, vector<32x128xf32>, vector<32x128xf32>, vector<32x128xf32>, vector<32x128xf32>, vector<32x128xf32>, vector<32x128xf32>, vector<32x128xf32>, vector<32x128xf32>, vector<32x128xf32>, vector<32x128xf32>, vector<32x128xf32>, vector<32x128xf32>, vector<32x128xf32>, vector<32x128xf32>, vector<32x128xf32>, vector<32x128xf32>, vector<32x128xf32>, vector<32x128xf32>, vector<32x128xf32>, vector<32x128xf32>, vector<32x128xf32>, vector<32x128xf32>, vector<32x128xf32>, vector<32x128xf32>, vector<32x128xf32>, vector<32x128xf32>, vector<32x128xf32>, vector<32x128xf32>, vector<32x128xf32>, vector<32x128xf32>, vector<32x128xf32>, vector<32x128xf32>, vector<32x128xf32>, vector<32x128xf32>, vector<32x128xf32>, vector<32x128xf32>, vector<32x128xf32>, vector<32x128xf32>, vector<32x128xf32>, vector<32x128xf32>, vector<32x128xf32>, vector<32x128xf32>, vector<32x128xf32>, vector<32x128xf32>, vector<32x128xf32>, vector<32x128xf32>, vector<32x128xf32>, vector<32x128xf32>, vector<32x128xf32>, vector<32x128xf32>, vector<32x128xf32>, vector<32x128xf32>, vector<32x128xf32>, vector<32x128xf32>, vector<32x128xf32>, vector<32x128xf32>, vector<32x128xf32>, vector<32x128xf32>, vector<32x128xf32>, vector<32x128xf32>, vector<32x128xf32>, vector<32x128xf32>, vector<32x128xf32>, vector<32x128xf32>, vector<32x128xf32>, vector<32x128xf32>, vector<32x128xf32>, vector<32x128xf32>, vector<32x128xf32>, vector<32x128xf32>, vector<32x128xf32>, vector<32x128xf32>, vector<32x128xf32>, vector<32x128xf32>, vector<32x128xf32>, vector<32x128xf32>, vector<32x128xf32>, vector<32x128xf32>, vector<32x128xf32>, vector<32x128xf32>, vector<32x128xf32>, vector<32x128xf32>, vector<32x128xf32>, vector<32x128xf32>, vector<32x128xf32>, vector<32x128xf32>, vector<32x128xf32>, vector<32x128xf32>, vector<32x128xf32>, vector<32x128xf32>, vector<32x128xf32>, vector<32x128xf32>, vector<32x128xf32>, vector<32x128xf32>, vector<32x128xf32>, vector<32x128xf32>, vector<32x128xf32>, vector<32x128xf32>, vector<32x128xf32>, vector<32x128xf32>, vector<32x128xf32>, vector<32x128xf32>, vector<32x128xf32>, vector<32x128xf32>, vector<32x128xf32>, vector<32x128xf32>, vector<32x128xf32>, vector<32x128xf32>, vector<32x128xf32>, vector<32x128xf32>, vector<32x128xf32>, vector<32x128xf32>, vector<32x128xf32>, vector<32x128xf32>, vector<32x128xf32>, vector<32x128xf32>, vector<32x128xf32>, vector<32x128xf32>, vector<32x128xf32>, vector<32x128xf32>, vector<32x128xf32>, vector<32x128xf32>, vector<32x128xf32>, vector<32x128xf32>, vector<32x128xf32>, vector<32x128xf32>, vector<32x128xf32>, vector<32x128xf32>, vector<32x128xf32>, vector<32x128xf32>, vector<32x128xf32>, vector<32x128xf32>, vector<32x128xf32>, vector<32x128xf32>, vector<32x128xf32>, vector<32x128xf32> -> vector<32x65536xf32>
      %get3A_26 = arith.constant 0 : index
      %get3A_27 = arith.constant 0 : index
      %get3A_28 = vector.load %arg17[%get3A_26, %get3A_27] : memref<32x65536xf32, #tpu.memory_space<vmem>>, vector<32x65536xf32>
      %add3A = arith.addf %tile3A, %get3A_28 : vector<32x65536xf32>
      %max3A = arith.constant 0.000000e+00 : f32
      %max3A_29 = vector.broadcast %max3A : f32 to vector<32x65536xf32>
      %max3A_30 = arith.maximumf %add3A, %max3A_29 : vector<32x65536xf32>
      %mul3A_31 = arith.constant 65536 : i32
      %mul3A_32 = arith.muli %sub3A_22, %mul3A_31 : i32
      %get3A_33 = arith.constant 0 : index
      %get3A_34 = arith.index_cast %mul3A_32 : i32 to index
      %get3A_35 = vector.load %arg14[%get3A_33, %get3A_34] : memref<2x262144xf32, #tpu.memory_space<vmem>>, vector<1x65536xf32>
      %mul3A_36 = arith.constant 65536 : i32
      %mul3A_37 = arith.muli %sub3A_22, %mul3A_36 : i32
      %get3A_38 = arith.constant 1 : index
      %get3A_39 = arith.index_cast %mul3A_37 : i32 to index
      %get3A_40 = vector.load %arg14[%get3A_38, %get3A_39] : memref<2x262144xf32, #tpu.memory_space<vmem>>, vector<1x65536xf32>
      %add3A_41 = arith.addf %get3A_35, %get3A_40 : vector<1x65536xf32>
      %gt3A = arith.constant 0.000000e+00 : f32
      %gt3A_42 = vector.broadcast %gt3A : f32 to vector<1x65536xf32>
      %gt3A_43 = arith.cmpf ogt, %add3A_41, %gt3A_42 : vector<1x65536xf32>
      %jit3A = arith.constant 0.000000e+00 : f32
      %jit3A_44 = arith.constant -1.000000e+30 : f32
      %broadcast_in_dim3A = vector.broadcast %jit3A : f32 to vector<1x65536xf32>
      %broadcast_in_dim3A_45 = vector.broadcast %jit3A_44 : f32 to vector<1x65536xf32>
      %select_n3A = arith.select %gt3A_43, %broadcast_in_dim3A, %broadcast_in_dim3A_45 : vector<1x65536xi1>, vector<1x65536xf32>
      %concatenate3A = tpu.concatenate %max3A_30, %select_n3A in 0 : vector<32x65536xf32>, vector<1x65536xf32> -> vector<33x65536xf32>
      %get3A_46 = arith.constant 0 : index
      %get3A_47 = arith.constant 0 : index
      %get3A_48 = vector.load %arg18[%get3A_46, %get3A_47] : memref<32x33xf32, #tpu.memory_space<vmem>>, vector<32x33xf32>
      %dot_general3A = arith.constant dense<0.000000e+00> : vector<32x65536xf32>
      %dot_general3A_49 = tpu.matmul %get3A_48, %concatenate3A, %dot_general3A {dimension_numbers = #tpu.dot_dimension_numbers<[1], [0], [0], [1], [0, 0, 1, 1], [], []>, transpose_lhs_hint = false} : vector<32x33xf32>, vector<33x65536xf32>, vector<32x65536xf32> -> vector<32x65536xf32>
      %slice3A = vector.extract_strided_slice %dot_general3A_49 {offsets = [0, 0], sizes = [32, 32768], strides = [1, 1]} : vector<32x65536xf32> to vector<32x32768xf32>
      %slice3A_50 = vector.extract_strided_slice %dot_general3A_49 {offsets = [0, 32768], sizes = [32, 32768], strides = [1, 1]} : vector<32x65536xf32> to vector<32x32768xf32>
      %max3A_51 = arith.maximumf %slice3A, %slice3A_50 : vector<32x32768xf32>
      %slice3A_52 = vector.extract_strided_slice %max3A_51 {offsets = [0, 0], sizes = [32, 16384], strides = [1, 1]} : vector<32x32768xf32> to vector<32x16384xf32>
      %slice3A_53 = vector.extract_strided_slice %max3A_51 {offsets = [0, 16384], sizes = [32, 16384], strides = [1, 1]} : vector<32x32768xf32> to vector<32x16384xf32>
      %max3A_54 = arith.maximumf %slice3A_52, %slice3A_53 : vector<32x16384xf32>
      %slice3A_55 = vector.extract_strided_slice %max3A_54 {offsets = [0, 0], sizes = [32, 8192], strides = [1, 1]} : vector<32x16384xf32> to vector<32x8192xf32>
      %slice3A_56 = vector.extract_strided_slice %max3A_54 {offsets = [0, 8192], sizes = [32, 8192], strides = [1, 1]} : vector<32x16384xf32> to vector<32x8192xf32>
      %max3A_57 = arith.maximumf %slice3A_55, %slice3A_56 : vector<32x8192xf32>
      %slice3A_58 = vector.extract_strided_slice %max3A_57 {offsets = [0, 0], sizes = [32, 4096], strides = [1, 1]} : vector<32x8192xf32> to vector<32x4096xf32>
      %slice3A_59 = vector.extract_strided_slice %max3A_57 {offsets = [0, 4096], sizes = [32, 4096], strides = [1, 1]} : vector<32x8192xf32> to vector<32x4096xf32>
      %max3A_60 = arith.maximumf %slice3A_58, %slice3A_59 : vector<32x4096xf32>
      %slice3A_61 = vector.extract_strided_slice %max3A_60 {offsets = [0, 0], sizes = [32, 2048], strides = [1, 1]} : vector<32x4096xf32> to vector<32x2048xf32>
      %slice3A_62 = vector.extract_strided_slice %max3A_60 {offsets = [0, 2048], sizes = [32, 2048], strides = [1, 1]} : vector<32x4096xf32> to vector<32x2048xf32>
      %max3A_63 = arith.maximumf %slice3A_61, %slice3A_62 : vector<32x2048xf32>
      %slice3A_64 = vector.extract_strided_slice %max3A_63 {offsets = [0, 0], sizes = [32, 1024], strides = [1, 1]} : vector<32x2048xf32> to vector<32x1024xf32>
      %slice3A_65 = vector.extract_strided_slice %max3A_63 {offsets = [0, 1024], sizes = [32, 1024], strides = [1, 1]} : vector<32x2048xf32> to vector<32x1024xf32>
      %max3A_66 = arith.maximumf %slice3A_64, %slice3A_65 : vector<32x1024xf32>
      %slice3A_67 = vector.extract_strided_slice %max3A_66 {offsets = [0, 0], sizes = [32, 512], strides = [1, 1]} : vector<32x1024xf32> to vector<32x512xf32>
      %slice3A_68 = vector.extract_strided_slice %max3A_66 {offsets = [0, 512], sizes = [32, 512], strides = [1, 1]} : vector<32x1024xf32> to vector<32x512xf32>
      %max3A_69 = arith.maximumf %slice3A_67, %slice3A_68 : vector<32x512xf32>
      %slice3A_70 = vector.extract_strided_slice %max3A_69 {offsets = [0, 0], sizes = [32, 256], strides = [1, 1]} : vector<32x512xf32> to vector<32x256xf32>
      %slice3A_71 = vector.extract_strided_slice %max3A_69 {offsets = [0, 256], sizes = [32, 256], strides = [1, 1]} : vector<32x512xf32> to vector<32x256xf32>
      %max3A_72 = arith.maximumf %slice3A_70, %slice3A_71 : vector<32x256xf32>
      %slice3A_73 = vector.extract_strided_slice %max3A_72 {offsets = [0, 0], sizes = [32, 128], strides = [1, 1]} : vector<32x256xf32> to vector<32x128xf32>
      %slice3A_74 = vector.extract_strided_slice %max3A_72 {offsets = [0, 128], sizes = [32, 128], strides = [1, 1]} : vector<32x256xf32> to vector<32x128xf32>
      %max3A_75 = arith.maximumf %slice3A_73, %slice3A_74 : vector<32x128xf32>
      %get3A_76 = arith.constant 0 : index
      %get3A_77 = arith.constant 0 : index
      %get3A_78 = vector.load %arg9[%get3A_76, %get3A_77] : memref<32x1xf32, #tpu.memory_space<vmem>>, vector<32x1xf32>
      %add3A_79 = vector.broadcast %get3A_78 : vector<32x1xf32> to vector<32x128xf32>
      %add3A_80 = arith.addf %max3A_75, %add3A_79 : vector<32x128xf32>
      %max3A_81 = arith.constant 0.000000e+00 : f32
      %max3A_82 = vector.broadcast %max3A_81 : f32 to vector<32x128xf32>
      %max3A_83 = arith.maximumf %add3A_80, %max3A_82 : vector<32x128xf32>
      %mul3A_84 = arith.constant 128 : i32
      %mul3A_85 = arith.muli %sub3A_22, %mul3A_84 : i32
      %swap3A = arith.constant 0 : index
      %swap3A_86 = arith.index_cast %mul3A_85 : i32 to index
      %swap3A_87 = vector.load %arg20[%swap3A, %swap3A_86] : memref<32x512xf32, #tpu.memory_space<vmem>>, vector<32x128xf32>
      tpu.vector_store %arg20[%swap3A, %swap3A_86], %max3A_83 {strides = array<i32>} : memref<32x512xf32, #tpu.memory_space<vmem>>, vector<32x128xf32>,
    } else {
    }
    %eq3A_17 = arith.constant 8 : i32
    %eq3A_18 = arith.cmpi eq, %arg0, %eq3A_17 : i32
    %convert_element_type3A_19 = arith.extui %eq3A_18 : i1 to i32
    %cond3A_20 = arith.constant 0 : i32
    %cond3A_21 = arith.cmpi ne, %convert_element_type3A_19, %cond3A_20 : i32
    scf.if %cond3A_21 {
      tpu.wait_dma2 semaphore(%arg22 : memref<!tpu.dma_semaphore, #tpu.memory_space<semaphore_mem>>) src(%arg10 : memref<32x512x128xf32, #tpu.memory_space<any>>) dst(%arg21 : memref<32x512x128xf32, #tpu.memory_space<vmem>>)
      %get3A = arith.constant 0 : index
      %get3A_22 = arith.constant 0 : index
      %get3A_23 = vector.load %arg20[%get3A, %get3A_22] : memref<32x512xf32, #tpu.memory_space<vmem>>, vector<32x512xf32>
      %get3A_24 = arith.constant 0 : index
      %get3A_25 = arith.constant 0 : index
      %get3A_26 = vector.load %arg11[%get3A_24, %get3A_25] : memref<1x128xf32, #tpu.memory_space<vmem>>, vector<1x128xf32>
      %slice3A = vector.extract_strided_slice %get3A_23 {offsets = [0, 0], sizes = [1, 512], strides = [1, 1]} : vector<32x512xf32> to vector<1x512xf32>
      %squeeze3A = vector.shape_cast %slice3A : vector<1x512xf32> to vector<512xf32>
      %broadcast_in_dim3A = vector.shape_cast %squeeze3A : vector<512xf32> to vector<1x512xf32>
      %get3A_27 = arith.constant 0 : index
      %get3A_28 = arith.constant 0 : index
      %get3A_29 = arith.constant 0 : index
      %get3A_30 = vector.load %arg21[%get3A_27, %get3A_28, %get3A_29] : memref<32x512x128xf32, #tpu.memory_space<vmem>>, vector<1x512x128xf32>
      %get3A_31 = vector.shape_cast %get3A_30 : vector<1x512x128xf32> to vector<512x128xf32>
      %dot_general3A = arith.constant dense<0.000000e+00> : vector<1x128xf32>
      %dot_general3A_32 = tpu.matmul %broadcast_in_dim3A, %get3A_31, %dot_general3A {dimension_numbers = #tpu.dot_dimension_numbers<[1], [0], [0], [1], [0, 0, 1, 1], [], []>, transpose_lhs_hint = false} : vector<1x512xf32>, vector<512x128xf32>, vector<1x128xf32> -> vector<1x128xf32>
      %add3A = arith.addf %get3A_26, %dot_general3A_32 : vector<1x128xf32>
      %slice3A_33 = vector.extract_strided_slice %get3A_23 {offsets = [1, 0], sizes = [1, 512], strides = [1, 1]} : vector<32x512xf32> to vector<1x512xf32>
      %squeeze3A_34 = vector.shape_cast %slice3A_33 : vector<1x512xf32> to vector<512xf32>
      %broadcast_in_dim3A_35 = vector.shape_cast %squeeze3A_34 : vector<512xf32> to vector<1x512xf32>
      %get3A_36 = arith.constant 1 : index
      %get3A_37 = arith.constant 0 : index
      %get3A_38 = arith.constant 0 : index
      %get3A_39 = vector.load %arg21[%get3A_36, %get3A_37, %get3A_38] : memref<32x512x128xf32, #tpu.memory_space<vmem>>, vector<1x512x128xf32>
      %get3A_40 = vector.shape_cast %get3A_39 : vector<1x512x128xf32> to vector<512x128xf32>
      %dot_general3A_41 = arith.constant dense<0.000000e+00> : vector<1x128xf32>
      %dot_general3A_42 = tpu.matmul %broadcast_in_dim3A_35, %get3A_40, %dot_general3A_41 {dimension_numbers = #tpu.dot_dimension_numbers<[1], [0], [0], [1], [0, 0, 1, 1], [], []>, transpose_lhs_hint = false} : vector<1x512xf32>, vector<512x128xf32>, vector<1x128xf32> -> vector<1x128xf32>
      %add3A_43 = arith.addf %add3A, %dot_general3A_42 : vector<1x128xf32>
      %slice3A_44 = vector.extract_strided_slice %get3A_23 {offsets = [2, 0], sizes = [1, 512], strides = [1, 1]} : vector<32x512xf32> to vector<1x512xf32>
      %squeeze3A_45 = vector.shape_cast %slice3A_44 : vector<1x512xf32> to vector<512xf32>
      %broadcast_in_dim3A_46 = vector.shape_cast %squeeze3A_45 : vector<512xf32> to vector<1x512xf32>
      %get3A_47 = arith.constant 2 : index
      %get3A_48 = arith.constant 0 : index
      %get3A_49 = arith.constant 0 : index
      %get3A_50 = vector.load %arg21[%get3A_47, %get3A_48, %get3A_49] : memref<32x512x128xf32, #tpu.memory_space<vmem>>, vector<1x512x128xf32>
      %get3A_51 = vector.shape_cast %get3A_50 : vector<1x512x128xf32> to vector<512x128xf32>
      %dot_general3A_52 = arith.constant dense<0.000000e+00> : vector<1x128xf32>
      %dot_general3A_53 = tpu.matmul %broadcast_in_dim3A_46, %get3A_51, %dot_general3A_52 {dimension_numbers = #tpu.dot_dimension_numbers<[1], [0], [0], [1], [0, 0, 1, 1], [], []>, transpose_lhs_hint = false} : vector<1x512xf32>, vector<512x128xf32>, vector<1x128xf32> -> vector<1x128xf32>
      %add3A_54 = arith.addf %add3A_43, %dot_general3A_53 : vector<1x128xf32>
      %slice3A_55 = vector.extract_strided_slice %get3A_23 {offsets = [3, 0], sizes = [1, 512], strides = [1, 1]} : vector<32x512xf32> to vector<1x512xf32>
      %squeeze3A_56 = vector.shape_cast %slice3A_55 : vector<1x512xf32> to vector<512xf32>
      %broadcast_in_dim3A_57 = vector.shape_cast %squeeze3A_56 : vector<512xf32> to vector<1x512xf32>
      %get3A_58 = arith.constant 3 : index
      %get3A_59 = arith.constant 0 : index
      %get3A_60 = arith.constant 0 : index
      %get3A_61 = vector.load %arg21[%get3A_58, %get3A_59, %get3A_60] : memref<32x512x128xf32, #tpu.memory_space<vmem>>, vector<1x512x128xf32>
      %get3A_62 = vector.shape_cast %get3A_61 : vector<1x512x128xf32> to vector<512x128xf32>
      %dot_general3A_63 = arith.constant dense<0.000000e+00> : vector<1x128xf32>
      %dot_general3A_64 = tpu.matmul %broadcast_in_dim3A_57, %get3A_62, %dot_general3A_63 {dimension_numbers = #tpu.dot_dimension_numbers<[1], [0], [0], [1], [0, 0, 1, 1], [], []>, transpose_lhs_hint = false} : vector<1x512xf32>, vector<512x128xf32>, vector<1x128xf32> -> vector<1x128xf32>
      %add3A_65 = arith.addf %add3A_54, %dot_general3A_64 : vector<1x128xf32>
      %slice3A_66 = vector.extract_strided_slice %get3A_23 {offsets = [4, 0], sizes = [1, 512], strides = [1, 1]} : vector<32x512xf32> to vector<1x512xf32>
      %squeeze3A_67 = vector.shape_cast %slice3A_66 : vector<1x512xf32> to vector<512xf32>
      %broadcast_in_dim3A_68 = vector.shape_cast %squeeze3A_67 : vector<512xf32> to vector<1x512xf32>
      %get3A_69 = arith.constant 4 : index
      %get3A_70 = arith.constant 0 : index
      %get3A_71 = arith.constant 0 : index
      %get3A_72 = vector.load %arg21[%get3A_69, %get3A_70, %get3A_71] : memref<32x512x128xf32, #tpu.memory_space<vmem>>, vector<1x512x128xf32>
      %get3A_73 = vector.shape_cast %get3A_72 : vector<1x512x128xf32> to vector<512x128xf32>
      %dot_general3A_74 = arith.constant dense<0.000000e+00> : vector<1x128xf32>
      %dot_general3A_75 = tpu.matmul %broadcast_in_dim3A_68, %get3A_73, %dot_general3A_74 {dimension_numbers = #tpu.dot_dimension_numbers<[1], [0], [0], [1], [0, 0, 1, 1], [], []>, transpose_lhs_hint = false} : vector<1x512xf32>, vector<512x128xf32>, vector<1x128xf32> -> vector<1x128xf32>
      %add3A_76 = arith.addf %add3A_65, %dot_general3A_75 : vector<1x128xf32>
      %slice3A_77 = vector.extract_strided_slice %get3A_23 {offsets = [5, 0], sizes = [1, 512], strides = [1, 1]} : vector<32x512xf32> to vector<1x512xf32>
      %squeeze3A_78 = vector.shape_cast %slice3A_77 : vector<1x512xf32> to vector<512xf32>
      %broadcast_in_dim3A_79 = vector.shape_cast %squeeze3A_78 : vector<512xf32> to vector<1x512xf32>
      %get3A_80 = arith.constant 5 : index
      %get3A_81 = arith.constant 0 : index
      %get3A_82 = arith.constant 0 : index
      %get3A_83 = vector.load %arg21[%get3A_80, %get3A_81, %get3A_82] : memref<32x512x128xf32, #tpu.memory_space<vmem>>, vector<1x512x128xf32>
      %get3A_84 = vector.shape_cast %get3A_83 : vector<1x512x128xf32> to vector<512x128xf32>
      %dot_general3A_85 = arith.constant dense<0.000000e+00> : vector<1x128xf32>
      %dot_general3A_86 = tpu.matmul %broadcast_in_dim3A_79, %get3A_84, %dot_general3A_85 {dimension_numbers = #tpu.dot_dimension_numbers<[1], [0], [0], [1], [0, 0, 1, 1], [], []>, transpose_lhs_hint = false} : vector<1x512xf32>, vector<512x128xf32>, vector<1x128xf32> -> vector<1x128xf32>
      %add3A_87 = arith.addf %add3A_76, %dot_general3A_86 : vector<1x128xf32>
      %slice3A_88 = vector.extract_strided_slice %get3A_23 {offsets = [6, 0], sizes = [1, 512], strides = [1, 1]} : vector<32x512xf32> to vector<1x512xf32>
      %squeeze3A_89 = vector.shape_cast %slice3A_88 : vector<1x512xf32> to vector<512xf32>
      %broadcast_in_dim3A_90 = vector.shape_cast %squeeze3A_89 : vector<512xf32> to vector<1x512xf32>
      %get3A_91 = arith.constant 6 : index
      %get3A_92 = arith.constant 0 : index
      %get3A_93 = arith.constant 0 : index
      %get3A_94 = vector.load %arg21[%get3A_91, %get3A_92, %get3A_93] : memref<32x512x128xf32, #tpu.memory_space<vmem>>, vector<1x512x128xf32>
      %get3A_95 = vector.shape_cast %get3A_94 : vector<1x512x128xf32> to vector<512x128xf32>
      %dot_general3A_96 = arith.constant dense<0.000000e+00> : vector<1x128xf32>
      %dot_general3A_97 = tpu.matmul %broadcast_in_dim3A_90, %get3A_95, %dot_general3A_96 {dimension_numbers = #tpu.dot_dimension_numbers<[1], [0], [0], [1], [0, 0, 1, 1], [], []>, transpose_lhs_hint = false} : vector<1x512xf32>, vector<512x128xf32>, vector<1x128xf32> -> vector<1x128xf32>
      %add3A_98 = arith.addf %add3A_87, %dot_general3A_97 : vector<1x128xf32>
      %slice3A_99 = vector.extract_strided_slice %get3A_23 {offsets = [7, 0], sizes = [1, 512], strides = [1, 1]} : vector<32x512xf32> to vector<1x512xf32>
      %squeeze3A_100 = vector.shape_cast %slice3A_99 : vector<1x512xf32> to vector<512xf32>
      %broadcast_in_dim3A_101 = vector.shape_cast %squeeze3A_100 : vector<512xf32> to vector<1x512xf32>
      %get3A_102 = arith.constant 7 : index
      %get3A_103 = arith.constant 0 : index
      %get3A_104 = arith.constant 0 : index
      %get3A_105 = vector.load %arg21[%get3A_102, %get3A_103, %get3A_104] : memref<32x512x128xf32, #tpu.memory_space<vmem>>, vector<1x512x128xf32>
      %get3A_106 = vector.shape_cast %get3A_105 : vector<1x512x128xf32> to vector<512x128xf32>
      %dot_general3A_107 = arith.constant dense<0.000000e+00> : vector<1x128xf32>
      %dot_general3A_108 = tpu.matmul %broadcast_in_dim3A_101, %get3A_106, %dot_general3A_107 {dimension_numbers = #tpu.dot_dimension_numbers<[1], [0], [0], [1], [0, 0, 1, 1], [], []>, transpose_lhs_hint = false} : vector<1x512xf32>, vector<512x128xf32>, vector<1x128xf32> -> vector<1x128xf32>
      %add3A_109 = arith.addf %add3A_98, %dot_general3A_108 : vector<1x128xf32>
      %slice3A_110 = vector.extract_strided_slice %get3A_23 {offsets = [8, 0], sizes = [1, 512], strides = [1, 1]} : vector<32x512xf32> to vector<1x512xf32>
      %squeeze3A_111 = vector.shape_cast %slice3A_110 : vector<1x512xf32> to vector<512xf32>
      %broadcast_in_dim3A_112 = vector.shape_cast %squeeze3A_111 : vector<512xf32> to vector<1x512xf32>
      %get3A_113 = arith.constant 8 : index
      %get3A_114 = arith.constant 0 : index
      %get3A_115 = arith.constant 0 : index
      %get3A_116 = vector.load %arg21[%get3A_113, %get3A_114, %get3A_115] : memref<32x512x128xf32, #tpu.memory_space<vmem>>, vector<1x512x128xf32>
      %get3A_117 = vector.shape_cast %get3A_116 : vector<1x512x128xf32> to vector<512x128xf32>
      %dot_general3A_118 = arith.constant dense<0.000000e+00> : vector<1x128xf32>
      %dot_general3A_119 = tpu.matmul %broadcast_in_dim3A_112, %get3A_117, %dot_general3A_118 {dimension_numbers = #tpu.dot_dimension_numbers<[1], [0], [0], [1], [0, 0, 1, 1], [], []>, transpose_lhs_hint = false} : vector<1x512xf32>, vector<512x128xf32>, vector<1x128xf32> -> vector<1x128xf32>
      %add3A_120 = arith.addf %add3A_109, %dot_general3A_119 : vector<1x128xf32>
      %slice3A_121 = vector.extract_strided_slice %get3A_23 {offsets = [9, 0], sizes = [1, 512], strides = [1, 1]} : vector<32x512xf32> to vector<1x512xf32>
      %squeeze3A_122 = vector.shape_cast %slice3A_121 : vector<1x512xf32> to vector<512xf32>
      %broadcast_in_dim3A_123 = vector.shape_cast %squeeze3A_122 : vector<512xf32> to vector<1x512xf32>
      %get3A_124 = arith.constant 9 : index
      %get3A_125 = arith.constant 0 : index
      %get3A_126 = arith.constant 0 : index
      %get3A_127 = vector.load %arg21[%get3A_124, %get3A_125, %get3A_126] : memref<32x512x128xf32, #tpu.memory_space<vmem>>, vector<1x512x128xf32>
      %get3A_128 = vector.shape_cast %get3A_127 : vector<1x512x128xf32> to vector<512x128xf32>
      %dot_general3A_129 = arith.constant dense<0.000000e+00> : vector<1x128xf32>
      %dot_general3A_130 = tpu.matmul %broadcast_in_dim3A_123, %get3A_128, %dot_general3A_129 {dimension_numbers = #tpu.dot_dimension_numbers<[1], [0], [0], [1], [0, 0, 1, 1], [], []>, transpose_lhs_hint = false} : vector<1x512xf32>, vector<512x128xf32>, vector<1x128xf32> -> vector<1x128xf32>
      %add3A_131 = arith.addf %add3A_120, %dot_general3A_130 : vector<1x128xf32>
      %slice3A_132 = vector.extract_strided_slice %get3A_23 {offsets = [10, 0], sizes = [1, 512], strides = [1, 1]} : vector<32x512xf32> to vector<1x512xf32>
      %squeeze3A_133 = vector.shape_cast %slice3A_132 : vector<1x512xf32> to vector<512xf32>
      %broadcast_in_dim3A_134 = vector.shape_cast %squeeze3A_133 : vector<512xf32> to vector<1x512xf32>
      %get3A_135 = arith.constant 10 : index
      %get3A_136 = arith.constant 0 : index
      %get3A_137 = arith.constant 0 : index
      %get3A_138 = vector.load %arg21[%get3A_135, %get3A_136, %get3A_137] : memref<32x512x128xf32, #tpu.memory_space<vmem>>, vector<1x512x128xf32>
      %get3A_139 = vector.shape_cast %get3A_138 : vector<1x512x128xf32> to vector<512x128xf32>
      %dot_general3A_140 = arith.constant dense<0.000000e+00> : vector<1x128xf32>
      %dot_general3A_141 = tpu.matmul %broadcast_in_dim3A_134, %get3A_139, %dot_general3A_140 {dimension_numbers = #tpu.dot_dimension_numbers<[1], [0], [0], [1], [0, 0, 1, 1], [], []>, transpose_lhs_hint = false} : vector<1x512xf32>, vector<512x128xf32>, vector<1x128xf32> -> vector<1x128xf32>
      %add3A_142 = arith.addf %add3A_131, %dot_general3A_141 : vector<1x128xf32>
      %slice3A_143 = vector.extract_strided_slice %get3A_23 {offsets = [11, 0], sizes = [1, 512], strides = [1, 1]} : vector<32x512xf32> to vector<1x512xf32>
      %squeeze3A_144 = vector.shape_cast %slice3A_143 : vector<1x512xf32> to vector<512xf32>
      %broadcast_in_dim3A_145 = vector.shape_cast %squeeze3A_144 : vector<512xf32> to vector<1x512xf32>
      %get3A_146 = arith.constant 11 : index
      %get3A_147 = arith.constant 0 : index
      %get3A_148 = arith.constant 0 : index
      %get3A_149 = vector.load %arg21[%get3A_146, %get3A_147, %get3A_148] : memref<32x512x128xf32, #tpu.memory_space<vmem>>, vector<1x512x128xf32>
      %get3A_150 = vector.shape_cast %get3A_149 : vector<1x512x128xf32> to vector<512x128xf32>
      %dot_general3A_151 = arith.constant dense<0.000000e+00> : vector<1x128xf32>
      %dot_general3A_152 = tpu.matmul %broadcast_in_dim3A_145, %get3A_150, %dot_general3A_151 {dimension_numbers = #tpu.dot_dimension_numbers<[1], [0], [0], [1], [0, 0, 1, 1], [], []>, transpose_lhs_hint = false} : vector<1x512xf32>, vector<512x128xf32>, vector<1x128xf32> -> vector<1x128xf32>
      %add3A_153 = arith.addf %add3A_142, %dot_general3A_152 : vector<1x128xf32>
      %slice3A_154 = vector.extract_strided_slice %get3A_23 {offsets = [12, 0], sizes = [1, 512], strides = [1, 1]} : vector<32x512xf32> to vector<1x512xf32>
      %squeeze3A_155 = vector.shape_cast %slice3A_154 : vector<1x512xf32> to vector<512xf32>
      %broadcast_in_dim3A_156 = vector.shape_cast %squeeze3A_155 : vector<512xf32> to vector<1x512xf32>
      %get3A_157 = arith.constant 12 : index
      %get3A_158 = arith.constant 0 : index
      %get3A_159 = arith.constant 0 : index
      %get3A_160 = vector.load %arg21[%get3A_157, %get3A_158, %get3A_159] : memref<32x512x128xf32, #tpu.memory_space<vmem>>, vector<1x512x128xf32>
      %get3A_161 = vector.shape_cast %get3A_160 : vector<1x512x128xf32> to vector<512x128xf32>
      %dot_general3A_162 = arith.constant dense<0.000000e+00> : vector<1x128xf32>
      %dot_general3A_163 = tpu.matmul %broadcast_in_dim3A_156, %get3A_161, %dot_general3A_162 {dimension_numbers = #tpu.dot_dimension_numbers<[1], [0], [0], [1], [0, 0, 1, 1], [], []>, transpose_lhs_hint = false} : vector<1x512xf32>, vector<512x128xf32>, vector<1x128xf32> -> vector<1x128xf32>
      %add3A_164 = arith.addf %add3A_153, %dot_general3A_163 : vector<1x128xf32>
      %slice3A_165 = vector.extract_strided_slice %get3A_23 {offsets = [13, 0], sizes = [1, 512], strides = [1, 1]} : vector<32x512xf32> to vector<1x512xf32>
      %squeeze3A_166 = vector.shape_cast %slice3A_165 : vector<1x512xf32> to vector<512xf32>
      %broadcast_in_dim3A_167 = vector.shape_cast %squeeze3A_166 : vector<512xf32> to vector<1x512xf32>
      %get3A_168 = arith.constant 13 : index
      %get3A_169 = arith.constant 0 : index
      %get3A_170 = arith.constant 0 : index
      %get3A_171 = vector.load %arg21[%get3A_168, %get3A_169, %get3A_170] : memref<32x512x128xf32, #tpu.memory_space<vmem>>, vector<1x512x128xf32>
      %get3A_172 = vector.shape_cast %get3A_171 : vector<1x512x128xf32> to vector<512x128xf32>
      %dot_general3A_173 = arith.constant dense<0.000000e+00> : vector<1x128xf32>
      %dot_general3A_174 = tpu.matmul %broadcast_in_dim3A_167, %get3A_172, %dot_general3A_173 {dimension_numbers = #tpu.dot_dimension_numbers<[1], [0], [0], [1], [0, 0, 1, 1], [], []>, transpose_lhs_hint = false} : vector<1x512xf32>, vector<512x128xf32>, vector<1x128xf32> -> vector<1x128xf32>
      %add3A_175 = arith.addf %add3A_164, %dot_general3A_174 : vector<1x128xf32>
      %slice3A_176 = vector.extract_strided_slice %get3A_23 {offsets = [14, 0], sizes = [1, 512], strides = [1, 1]} : vector<32x512xf32> to vector<1x512xf32>
      %squeeze3A_177 = vector.shape_cast %slice3A_176 : vector<1x512xf32> to vector<512xf32>
      %broadcast_in_dim3A_178 = vector.shape_cast %squeeze3A_177 : vector<512xf32> to vector<1x512xf32>
      %get3A_179 = arith.constant 14 : index
      %get3A_180 = arith.constant 0 : index
      %get3A_181 = arith.constant 0 : index
      %get3A_182 = vector.load %arg21[%get3A_179, %get3A_180, %get3A_181] : memref<32x512x128xf32, #tpu.memory_space<vmem>>, vector<1x512x128xf32>
      %get3A_183 = vector.shape_cast %get3A_182 : vector<1x512x128xf32> to vector<512x128xf32>
      %dot_general3A_184 = arith.constant dense<0.000000e+00> : vector<1x128xf32>
      %dot_general3A_185 = tpu.matmul %broadcast_in_dim3A_178, %get3A_183, %dot_general3A_184 {dimension_numbers = #tpu.dot_dimension_numbers<[1], [0], [0], [1], [0, 0, 1, 1], [], []>, transpose_lhs_hint = false} : vector<1x512xf32>, vector<512x128xf32>, vector<1x128xf32> -> vector<1x128xf32>
      %add3A_186 = arith.addf %add3A_175, %dot_general3A_185 : vector<1x128xf32>
      %slice3A_187 = vector.extract_strided_slice %get3A_23 {offsets = [15, 0], sizes = [1, 512], strides = [1, 1]} : vector<32x512xf32> to vector<1x512xf32>
      %squeeze3A_188 = vector.shape_cast %slice3A_187 : vector<1x512xf32> to vector<512xf32>
      %broadcast_in_dim3A_189 = vector.shape_cast %squeeze3A_188 : vector<512xf32> to vector<1x512xf32>
      %get3A_190 = arith.constant 15 : index
      %get3A_191 = arith.constant 0 : index
      %get3A_192 = arith.constant 0 : index
      %get3A_193 = vector.load %arg21[%get3A_190, %get3A_191, %get3A_192] : memref<32x512x128xf32, #tpu.memory_space<vmem>>, vector<1x512x128xf32>
      %get3A_194 = vector.shape_cast %get3A_193 : vector<1x512x128xf32> to vector<512x128xf32>
      %dot_general3A_195 = arith.constant dense<0.000000e+00> : vector<1x128xf32>
      %dot_general3A_196 = tpu.matmul %broadcast_in_dim3A_189, %get3A_194, %dot_general3A_195 {dimension_numbers = #tpu.dot_dimension_numbers<[1], [0], [0], [1], [0, 0, 1, 1], [], []>, transpose_lhs_hint = false} : vector<1x512xf32>, vector<512x128xf32>, vector<1x128xf32> -> vector<1x128xf32>
      %add3A_197 = arith.addf %add3A_186, %dot_general3A_196 : vector<1x128xf32>
      %slice3A_198 = vector.extract_strided_slice %get3A_23 {offsets = [16, 0], sizes = [1, 512], strides = [1, 1]} : vector<32x512xf32> to vector<1x512xf32>
      %squeeze3A_199 = vector.shape_cast %slice3A_198 : vector<1x512xf32> to vector<512xf32>
      %broadcast_in_dim3A_200 = vector.shape_cast %squeeze3A_199 : vector<512xf32> to vector<1x512xf32>
      %get3A_201 = arith.constant 16 : index
      %get3A_202 = arith.constant 0 : index
      %get3A_203 = arith.constant 0 : index
      %get3A_204 = vector.load %arg21[%get3A_201, %get3A_202, %get3A_203] : memref<32x512x128xf32, #tpu.memory_space<vmem>>, vector<1x512x128xf32>
      %get3A_205 = vector.shape_cast %get3A_204 : vector<1x512x128xf32> to vector<512x128xf32>
      %dot_general3A_206 = arith.constant dense<0.000000e+00> : vector<1x128xf32>
      %dot_general3A_207 = tpu.matmul %broadcast_in_dim3A_200, %get3A_205, %dot_general3A_206 {dimension_numbers = #tpu.dot_dimension_numbers<[1], [0], [0], [1], [0, 0, 1, 1], [], []>, transpose_lhs_hint = false} : vector<1x512xf32>, vector<512x128xf32>, vector<1x128xf32> -> vector<1x128xf32>
      %add3A_208 = arith.addf %add3A_197, %dot_general3A_207 : vector<1x128xf32>
      %slice3A_209 = vector.extract_strided_slice %get3A_23 {offsets = [17, 0], sizes = [1, 512], strides = [1, 1]} : vector<32x512xf32> to vector<1x512xf32>
      %squeeze3A_210 = vector.shape_cast %slice3A_209 : vector<1x512xf32> to vector<512xf32>
      %broadcast_in_dim3A_211 = vector.shape_cast %squeeze3A_210 : vector<512xf32> to vector<1x512xf32>
      %get3A_212 = arith.constant 17 : index
      %get3A_213 = arith.constant 0 : index
      %get3A_214 = arith.constant 0 : index
      %get3A_215 = vector.load %arg21[%get3A_212, %get3A_213, %get3A_214] : memref<32x512x128xf32, #tpu.memory_space<vmem>>, vector<1x512x128xf32>
      %get3A_216 = vector.shape_cast %get3A_215 : vector<1x512x128xf32> to vector<512x128xf32>
      %dot_general3A_217 = arith.constant dense<0.000000e+00> : vector<1x128xf32>
      %dot_general3A_218 = tpu.matmul %broadcast_in_dim3A_211, %get3A_216, %dot_general3A_217 {dimension_numbers = #tpu.dot_dimension_numbers<[1], [0], [0], [1], [0, 0, 1, 1], [], []>, transpose_lhs_hint = false} : vector<1x512xf32>, vector<512x128xf32>, vector<1x128xf32> -> vector<1x128xf32>
      %add3A_219 = arith.addf %add3A_208, %dot_general3A_218 : vector<1x128xf32>
      %slice3A_220 = vector.extract_strided_slice %get3A_23 {offsets = [18, 0], sizes = [1, 512], strides = [1, 1]} : vector<32x512xf32> to vector<1x512xf32>
      %squeeze3A_221 = vector.shape_cast %slice3A_220 : vector<1x512xf32> to vector<512xf32>
      %broadcast_in_dim3A_222 = vector.shape_cast %squeeze3A_221 : vector<512xf32> to vector<1x512xf32>
      %get3A_223 = arith.constant 18 : index
      %get3A_224 = arith.constant 0 : index
      %get3A_225 = arith.constant 0 : index
      %get3A_226 = vector.load %arg21[%get3A_223, %get3A_224, %get3A_225] : memref<32x512x128xf32, #tpu.memory_space<vmem>>, vector<1x512x128xf32>
      %get3A_227 = vector.shape_cast %get3A_226 : vector<1x512x128xf32> to vector<512x128xf32>
      %dot_general3A_228 = arith.constant dense<0.000000e+00> : vector<1x128xf32>
      %dot_general3A_229 = tpu.matmul %broadcast_in_dim3A_222, %get3A_227, %dot_general3A_228 {dimension_numbers = #tpu.dot_dimension_numbers<[1], [0], [0], [1], [0, 0, 1, 1], [], []>, transpose_lhs_hint = false} : vector<1x512xf32>, vector<512x128xf32>, vector<1x128xf32> -> vector<1x128xf32>
      %add3A_230 = arith.addf %add3A_219, %dot_general3A_229 : vector<1x128xf32>
      %slice3A_231 = vector.extract_strided_slice %get3A_23 {offsets = [19, 0], sizes = [1, 512], strides = [1, 1]} : vector<32x512xf32> to vector<1x512xf32>
      %squeeze3A_232 = vector.shape_cast %slice3A_231 : vector<1x512xf32> to vector<512xf32>
      %broadcast_in_dim3A_233 = vector.shape_cast %squeeze3A_232 : vector<512xf32> to vector<1x512xf32>
      %get3A_234 = arith.constant 19 : index
      %get3A_235 = arith.constant 0 : index
      %get3A_236 = arith.constant 0 : index
      %get3A_237 = vector.load %arg21[%get3A_234, %get3A_235, %get3A_236] : memref<32x512x128xf32, #tpu.memory_space<vmem>>, vector<1x512x128xf32>
      %get3A_238 = vector.shape_cast %get3A_237 : vector<1x512x128xf32> to vector<512x128xf32>
      %dot_general3A_239 = arith.constant dense<0.000000e+00> : vector<1x128xf32>
      %dot_general3A_240 = tpu.matmul %broadcast_in_dim3A_233, %get3A_238, %dot_general3A_239 {dimension_numbers = #tpu.dot_dimension_numbers<[1], [0], [0], [1], [0, 0, 1, 1], [], []>, transpose_lhs_hint = false} : vector<1x512xf32>, vector<512x128xf32>, vector<1x128xf32> -> vector<1x128xf32>
      %add3A_241 = arith.addf %add3A_230, %dot_general3A_240 : vector<1x128xf32>
      %slice3A_242 = vector.extract_strided_slice %get3A_23 {offsets = [20, 0], sizes = [1, 512], strides = [1, 1]} : vector<32x512xf32> to vector<1x512xf32>
      %squeeze3A_243 = vector.shape_cast %slice3A_242 : vector<1x512xf32> to vector<512xf32>
      %broadcast_in_dim3A_244 = vector.shape_cast %squeeze3A_243 : vector<512xf32> to vector<1x512xf32>
      %get3A_245 = arith.constant 20 : index
      %get3A_246 = arith.constant 0 : index
      %get3A_247 = arith.constant 0 : index
      %get3A_248 = vector.load %arg21[%get3A_245, %get3A_246, %get3A_247] : memref<32x512x128xf32, #tpu.memory_space<vmem>>, vector<1x512x128xf32>
      %get3A_249 = vector.shape_cast %get3A_248 : vector<1x512x128xf32> to vector<512x128xf32>
      %dot_general3A_250 = arith.constant dense<0.000000e+00> : vector<1x128xf32>
      %dot_general3A_251 = tpu.matmul %broadcast_in_dim3A_244, %get3A_249, %dot_general3A_250 {dimension_numbers = #tpu.dot_dimension_numbers<[1], [0], [0], [1], [0, 0, 1, 1], [], []>, transpose_lhs_hint = false} : vector<1x512xf32>, vector<512x128xf32>, vector<1x128xf32> -> vector<1x128xf32>
      %add3A_252 = arith.addf %add3A_241, %dot_general3A_251 : vector<1x128xf32>
      %slice3A_253 = vector.extract_strided_slice %get3A_23 {offsets = [21, 0], sizes = [1, 512], strides = [1, 1]} : vector<32x512xf32> to vector<1x512xf32>
      %squeeze3A_254 = vector.shape_cast %slice3A_253 : vector<1x512xf32> to vector<512xf32>
      %broadcast_in_dim3A_255 = vector.shape_cast %squeeze3A_254 : vector<512xf32> to vector<1x512xf32>
      %get3A_256 = arith.constant 21 : index
      %get3A_257 = arith.constant 0 : index
      %get3A_258 = arith.constant 0 : index
      %get3A_259 = vector.load %arg21[%get3A_256, %get3A_257, %get3A_258] : memref<32x512x128xf32, #tpu.memory_space<vmem>>, vector<1x512x128xf32>
      %get3A_260 = vector.shape_cast %get3A_259 : vector<1x512x128xf32> to vector<512x128xf32>
      %dot_general3A_261 = arith.constant dense<0.000000e+00> : vector<1x128xf32>
      %dot_general3A_262 = tpu.matmul %broadcast_in_dim3A_255, %get3A_260, %dot_general3A_261 {dimension_numbers = #tpu.dot_dimension_numbers<[1], [0], [0], [1], [0, 0, 1, 1], [], []>, transpose_lhs_hint = false} : vector<1x512xf32>, vector<512x128xf32>, vector<1x128xf32> -> vector<1x128xf32>
      %add3A_263 = arith.addf %add3A_252, %dot_general3A_262 : vector<1x128xf32>
      %slice3A_264 = vector.extract_strided_slice %get3A_23 {offsets = [22, 0], sizes = [1, 512], strides = [1, 1]} : vector<32x512xf32> to vector<1x512xf32>
      %squeeze3A_265 = vector.shape_cast %slice3A_264 : vector<1x512xf32> to vector<512xf32>
      %broadcast_in_dim3A_266 = vector.shape_cast %squeeze3A_265 : vector<512xf32> to vector<1x512xf32>
      %get3A_267 = arith.constant 22 : index
      %get3A_268 = arith.constant 0 : index
      %get3A_269 = arith.constant 0 : index
      %get3A_270 = vector.load %arg21[%get3A_267, %get3A_268, %get3A_269] : memref<32x512x128xf32, #tpu.memory_space<vmem>>, vector<1x512x128xf32>
      %get3A_271 = vector.shape_cast %get3A_270 : vector<1x512x128xf32> to vector<512x128xf32>
      %dot_general3A_272 = arith.constant dense<0.000000e+00> : vector<1x128xf32>
      %dot_general3A_273 = tpu.matmul %broadcast_in_dim3A_266, %get3A_271, %dot_general3A_272 {dimension_numbers = #tpu.dot_dimension_numbers<[1], [0], [0], [1], [0, 0, 1, 1], [], []>, transpose_lhs_hint = false} : vector<1x512xf32>, vector<512x128xf32>, vector<1x128xf32> -> vector<1x128xf32>
      %add3A_274 = arith.addf %add3A_263, %dot_general3A_273 : vector<1x128xf32>
      %slice3A_275 = vector.extract_strided_slice %get3A_23 {offsets = [23, 0], sizes = [1, 512], strides = [1, 1]} : vector<32x512xf32> to vector<1x512xf32>
      %squeeze3A_276 = vector.shape_cast %slice3A_275 : vector<1x512xf32> to vector<512xf32>
      %broadcast_in_dim3A_277 = vector.shape_cast %squeeze3A_276 : vector<512xf32> to vector<1x512xf32>
      %get3A_278 = arith.constant 23 : index
      %get3A_279 = arith.constant 0 : index
      %get3A_280 = arith.constant 0 : index
      %get3A_281 = vector.load %arg21[%get3A_278, %get3A_279, %get3A_280] : memref<32x512x128xf32, #tpu.memory_space<vmem>>, vector<1x512x128xf32>
      %get3A_282 = vector.shape_cast %get3A_281 : vector<1x512x128xf32> to vector<512x128xf32>
      %dot_general3A_283 = arith.constant dense<0.000000e+00> : vector<1x128xf32>
      %dot_general3A_284 = tpu.matmul %broadcast_in_dim3A_277, %get3A_282, %dot_general3A_283 {dimension_numbers = #tpu.dot_dimension_numbers<[1], [0], [0], [1], [0, 0, 1, 1], [], []>, transpose_lhs_hint = false} : vector<1x512xf32>, vector<512x128xf32>, vector<1x128xf32> -> vector<1x128xf32>
      %add3A_285 = arith.addf %add3A_274, %dot_general3A_284 : vector<1x128xf32>
      %slice3A_286 = vector.extract_strided_slice %get3A_23 {offsets = [24, 0], sizes = [1, 512], strides = [1, 1]} : vector<32x512xf32> to vector<1x512xf32>
      %squeeze3A_287 = vector.shape_cast %slice3A_286 : vector<1x512xf32> to vector<512xf32>
      %broadcast_in_dim3A_288 = vector.shape_cast %squeeze3A_287 : vector<512xf32> to vector<1x512xf32>
      %get3A_289 = arith.constant 24 : index
      %get3A_290 = arith.constant 0 : index
      %get3A_291 = arith.constant 0 : index
      %get3A_292 = vector.load %arg21[%get3A_289, %get3A_290, %get3A_291] : memref<32x512x128xf32, #tpu.memory_space<vmem>>, vector<1x512x128xf32>
      %get3A_293 = vector.shape_cast %get3A_292 : vector<1x512x128xf32> to vector<512x128xf32>
      %dot_general3A_294 = arith.constant dense<0.000000e+00> : vector<1x128xf32>
      %dot_general3A_295 = tpu.matmul %broadcast_in_dim3A_288, %get3A_293, %dot_general3A_294 {dimension_numbers = #tpu.dot_dimension_numbers<[1], [0], [0], [1], [0, 0, 1, 1], [], []>, transpose_lhs_hint = false} : vector<1x512xf32>, vector<512x128xf32>, vector<1x128xf32> -> vector<1x128xf32>
      %add3A_296 = arith.addf %add3A_285, %dot_general3A_295 : vector<1x128xf32>
      %slice3A_297 = vector.extract_strided_slice %get3A_23 {offsets = [25, 0], sizes = [1, 512], strides = [1, 1]} : vector<32x512xf32> to vector<1x512xf32>
      %squeeze3A_298 = vector.shape_cast %slice3A_297 : vector<1x512xf32> to vector<512xf32>
      %broadcast_in_dim3A_299 = vector.shape_cast %squeeze3A_298 : vector<512xf32> to vector<1x512xf32>
      %get3A_300 = arith.constant 25 : index
      %get3A_301 = arith.constant 0 : index
      %get3A_302 = arith.constant 0 : index
      %get3A_303 = vector.load %arg21[%get3A_300, %get3A_301, %get3A_302] : memref<32x512x128xf32, #tpu.memory_space<vmem>>, vector<1x512x128xf32>
      %get3A_304 = vector.shape_cast %get3A_303 : vector<1x512x128xf32> to vector<512x128xf32>
      %dot_general3A_305 = arith.constant dense<0.000000e+00> : vector<1x128xf32>
      %dot_general3A_306 = tpu.matmul %broadcast_in_dim3A_299, %get3A_304, %dot_general3A_305 {dimension_numbers = #tpu.dot_dimension_numbers<[1], [0], [0], [1], [0, 0, 1, 1], [], []>, transpose_lhs_hint = false} : vector<1x512xf32>, vector<512x128xf32>, vector<1x128xf32> -> vector<1x128xf32>
      %add3A_307 = arith.addf %add3A_296, %dot_general3A_306 : vector<1x128xf32>
      %slice3A_308 = vector.extract_strided_slice %get3A_23 {offsets = [26, 0], sizes = [1, 512], strides = [1, 1]} : vector<32x512xf32> to vector<1x512xf32>
      %squeeze3A_309 = vector.shape_cast %slice3A_308 : vector<1x512xf32> to vector<512xf32>
      %broadcast_in_dim3A_310 = vector.shape_cast %squeeze3A_309 : vector<512xf32> to vector<1x512xf32>
      %get3A_311 = arith.constant 26 : index
      %get3A_312 = arith.constant 0 : index
      %get3A_313 = arith.constant 0 : index
      %get3A_314 = vector.load %arg21[%get3A_311, %get3A_312, %get3A_313] : memref<32x512x128xf32, #tpu.memory_space<vmem>>, vector<1x512x128xf32>
      %get3A_315 = vector.shape_cast %get3A_314 : vector<1x512x128xf32> to vector<512x128xf32>
      %dot_general3A_316 = arith.constant dense<0.000000e+00> : vector<1x128xf32>
      %dot_general3A_317 = tpu.matmul %broadcast_in_dim3A_310, %get3A_315, %dot_general3A_316 {dimension_numbers = #tpu.dot_dimension_numbers<[1], [0], [0], [1], [0, 0, 1, 1], [], []>, transpose_lhs_hint = false} : vector<1x512xf32>, vector<512x128xf32>, vector<1x128xf32> -> vector<1x128xf32>
      %add3A_318 = arith.addf %add3A_307, %dot_general3A_317 : vector<1x128xf32>
      %slice3A_319 = vector.extract_strided_slice %get3A_23 {offsets = [27, 0], sizes = [1, 512], strides = [1, 1]} : vector<32x512xf32> to vector<1x512xf32>
      %squeeze3A_320 = vector.shape_cast %slice3A_319 : vector<1x512xf32> to vector<512xf32>
      %broadcast_in_dim3A_321 = vector.shape_cast %squeeze3A_320 : vector<512xf32> to vector<1x512xf32>
      %get3A_322 = arith.constant 27 : index
      %get3A_323 = arith.constant 0 : index
      %get3A_324 = arith.constant 0 : index
      %get3A_325 = vector.load %arg21[%get3A_322, %get3A_323, %get3A_324] : memref<32x512x128xf32, #tpu.memory_space<vmem>>, vector<1x512x128xf32>
      %get3A_326 = vector.shape_cast %get3A_325 : vector<1x512x128xf32> to vector<512x128xf32>
      %dot_general3A_327 = arith.constant dense<0.000000e+00> : vector<1x128xf32>
      %dot_general3A_328 = tpu.matmul %broadcast_in_dim3A_321, %get3A_326, %dot_general3A_327 {dimension_numbers = #tpu.dot_dimension_numbers<[1], [0], [0], [1], [0, 0, 1, 1], [], []>, transpose_lhs_hint = false} : vector<1x512xf32>, vector<512x128xf32>, vector<1x128xf32> -> vector<1x128xf32>
      %add3A_329 = arith.addf %add3A_318, %dot_general3A_328 : vector<1x128xf32>
      %slice3A_330 = vector.extract_strided_slice %get3A_23 {offsets = [28, 0], sizes = [1, 512], strides = [1, 1]} : vector<32x512xf32> to vector<1x512xf32>
      %squeeze3A_331 = vector.shape_cast %slice3A_330 : vector<1x512xf32> to vector<512xf32>
      %broadcast_in_dim3A_332 = vector.shape_cast %squeeze3A_331 : vector<512xf32> to vector<1x512xf32>
      %get3A_333 = arith.constant 28 : index
      %get3A_334 = arith.constant 0 : index
      %get3A_335 = arith.constant 0 : index
      %get3A_336 = vector.load %arg21[%get3A_333, %get3A_334, %get3A_335] : memref<32x512x128xf32, #tpu.memory_space<vmem>>, vector<1x512x128xf32>
      %get3A_337 = vector.shape_cast %get3A_336 : vector<1x512x128xf32> to vector<512x128xf32>
      %dot_general3A_338 = arith.constant dense<0.000000e+00> : vector<1x128xf32>
      %dot_general3A_339 = tpu.matmul %broadcast_in_dim3A_332, %get3A_337, %dot_general3A_338 {dimension_numbers = #tpu.dot_dimension_numbers<[1], [0], [0], [1], [0, 0, 1, 1], [], []>, transpose_lhs_hint = false} : vector<1x512xf32>, vector<512x128xf32>, vector<1x128xf32> -> vector<1x128xf32>
      %add3A_340 = arith.addf %add3A_329, %dot_general3A_339 : vector<1x128xf32>
      %slice3A_341 = vector.extract_strided_slice %get3A_23 {offsets = [29, 0], sizes = [1, 512], strides = [1, 1]} : vector<32x512xf32> to vector<1x512xf32>
      %squeeze3A_342 = vector.shape_cast %slice3A_341 : vector<1x512xf32> to vector<512xf32>
      %broadcast_in_dim3A_343 = vector.shape_cast %squeeze3A_342 : vector<512xf32> to vector<1x512xf32>
      %get3A_344 = arith.constant 29 : index
      %get3A_345 = arith.constant 0 : index
      %get3A_346 = arith.constant 0 : index
      %get3A_347 = vector.load %arg21[%get3A_344, %get3A_345, %get3A_346] : memref<32x512x128xf32, #tpu.memory_space<vmem>>, vector<1x512x128xf32>
      %get3A_348 = vector.shape_cast %get3A_347 : vector<1x512x128xf32> to vector<512x128xf32>
      %dot_general3A_349 = arith.constant dense<0.000000e+00> : vector<1x128xf32>
      %dot_general3A_350 = tpu.matmul %broadcast_in_dim3A_343, %get3A_348, %dot_general3A_349 {dimension_numbers = #tpu.dot_dimension_numbers<[1], [0], [0], [1], [0, 0, 1, 1], [], []>, transpose_lhs_hint = false} : vector<1x512xf32>, vector<512x128xf32>, vector<1x128xf32> -> vector<1x128xf32>
      %add3A_351 = arith.addf %add3A_340, %dot_general3A_350 : vector<1x128xf32>
      %slice3A_352 = vector.extract_strided_slice %get3A_23 {offsets = [30, 0], sizes = [1, 512], strides = [1, 1]} : vector<32x512xf32> to vector<1x512xf32>
      %squeeze3A_353 = vector.shape_cast %slice3A_352 : vector<1x512xf32> to vector<512xf32>
      %broadcast_in_dim3A_354 = vector.shape_cast %squeeze3A_353 : vector<512xf32> to vector<1x512xf32>
      %get3A_355 = arith.constant 30 : index
      %get3A_356 = arith.constant 0 : index
      %get3A_357 = arith.constant 0 : index
      %get3A_358 = vector.load %arg21[%get3A_355, %get3A_356, %get3A_357] : memref<32x512x128xf32, #tpu.memory_space<vmem>>, vector<1x512x128xf32>
      %get3A_359 = vector.shape_cast %get3A_358 : vector<1x512x128xf32> to vector<512x128xf32>
      %dot_general3A_360 = arith.constant dense<0.000000e+00> : vector<1x128xf32>
      %dot_general3A_361 = tpu.matmul %broadcast_in_dim3A_354, %get3A_359, %dot_general3A_360 {dimension_numbers = #tpu.dot_dimension_numbers<[1], [0], [0], [1], [0, 0, 1, 1], [], []>, transpose_lhs_hint = false} : vector<1x512xf32>, vector<512x128xf32>, vector<1x128xf32> -> vector<1x128xf32>
      %add3A_362 = arith.addf %add3A_351, %dot_general3A_361 : vector<1x128xf32>
      %slice3A_363 = vector.extract_strided_slice %get3A_23 {offsets = [31, 0], sizes = [1, 512], strides = [1, 1]} : vector<32x512xf32> to vector<1x512xf32>
      %squeeze3A_364 = vector.shape_cast %slice3A_363 : vector<1x512xf32> to vector<512xf32>
      %broadcast_in_dim3A_365 = vector.shape_cast %squeeze3A_364 : vector<512xf32> to vector<1x512xf32>
      %get3A_366 = arith.constant 31 : index
      %get3A_367 = arith.constant 0 : index
      %get3A_368 = arith.constant 0 : index
      %get3A_369 = vector.load %arg21[%get3A_366, %get3A_367, %get3A_368] : memref<32x512x128xf32, #tpu.memory_space<vmem>>, vector<1x512x128xf32>
      %get3A_370 = vector.shape_cast %get3A_369 : vector<1x512x128xf32> to vector<512x128xf32>
      %dot_general3A_371 = arith.constant dense<0.000000e+00> : vector<1x128xf32>
      %dot_general3A_372 = tpu.matmul %broadcast_in_dim3A_365, %get3A_370, %dot_general3A_371 {dimension_numbers = #tpu.dot_dimension_numbers<[1], [0], [0], [1], [0, 0, 1, 1], [], []>, transpose_lhs_hint = false} : vector<1x512xf32>, vector<512x128xf32>, vector<1x128xf32> -> vector<1x128xf32>
      %add3A_373 = arith.addf %add3A_362, %dot_general3A_372 : vector<1x128xf32>
      %max3A = arith.constant 0.000000e+00 : f32
      %max3A_374 = vector.broadcast %max3A : f32 to vector<1x128xf32>
      %max3A_375 = arith.maximumf %add3A_373, %max3A_374 : vector<1x128xf32>
      %get3A_376 = arith.constant 0 : index
      %get3A_377 = arith.constant 0 : index
      %get3A_378 = vector.load %arg12[%get3A_376, %get3A_377] : memref<128x512xf32, #tpu.memory_space<vmem>>, vector<128x512xf32>
      %dot_general3A_379 = arith.constant dense<0.000000e+00> : vector<1x512xf32>
      %dot_general3A_380 = tpu.matmul %max3A_375, %get3A_378, %dot_general3A_379 {dimension_numbers = #tpu.dot_dimension_numbers<[1], [0], [0], [1], [0, 0, 1, 1], [], []>, transpose_lhs_hint = false} : vector<1x128xf32>, vector<128x512xf32>, vector<1x512xf32> -> vector<1x512xf32>
      %get3A_381 = arith.constant 0 : index
      %get3A_382 = arith.constant 0 : index
      %get3A_383 = vector.load %arg13[%get3A_381, %get3A_382] : memref<1x512xf32, #tpu.memory_space<vmem>>, vector<1x512xf32>
      %add3A_384 = arith.addf %dot_general3A_380, %get3A_383 : vector<1x512xf32>
      %max3A_385 = arith.constant 0.000000e+00 : f32
      %max3A_386 = vector.broadcast %max3A_385 : f32 to vector<1x512xf32>
      %max3A_387 = arith.maximumf %add3A_384, %max3A_386 : vector<1x512xf32>
      %reduce_max3A = arith.constant dense<0xFF800000> : vector<1xf32>
      %reduce_max3A_388 = vector.multi_reduction <maximumf>, %max3A_387, %reduce_max3A [1] : vector<1x512xf32> to vector<1xf32>
      %broadcast_in_dim3A_389 = vector.shape_cast %reduce_max3A_388 : vector<1xf32> to vector<1x1xf32>
      %sub3A = vector.broadcast %broadcast_in_dim3A_389 : vector<1x1xf32> to vector<1x512xf32>
      %sub3A_390 = arith.subf %max3A_387, %sub3A : vector<1x512xf32>
      %exp3A = math.exp %sub3A_390 : vector<1x512xf32>
      %reduce_sum3A = arith.constant dense<0.000000e+00> : vector<1xf32>
      %reduce_sum3A_391 = vector.multi_reduction <add>, %exp3A, %reduce_sum3A [1] : vector<1x512xf32> to vector<1xf32>
      %broadcast_in_dim3A_392 = vector.shape_cast %reduce_sum3A_391 : vector<1xf32> to vector<1x1xf32>
      %div3A = vector.broadcast %broadcast_in_dim3A_392 : vector<1x1xf32> to vector<1x512xf32>
      %div3A_393 = arith.divf %exp3A, %div3A : vector<1x512xf32>
      %swap3A = arith.constant 0 : index
      %swap3A_394 = arith.constant 0 : index
      %swap3A_395 = vector.load %arg15[%swap3A, %swap3A_394] : memref<1x512xf32, #tpu.memory_space<vmem>>, vector<1x512xf32>
      tpu.vector_store %arg15[%swap3A, %swap3A_394], %div3A_393 {strides = array<i32>} : memref<1x512xf32, #tpu.memory_space<vmem>>, vector<1x512xf32>,
    } else {
    }
    return
  }
  func.func @transform_0(%arg0: i32) -> (i32, i32) {
    %c0_i32 = arith.constant 0 : i32
    %c0_i32_0 = arith.constant 0 : i32
    %c0_i32_1 = arith.constant 0 : i32
    return %c0_i32, %c0_i32_0 : i32, i32
  }
  func.func @transform_1(%arg0: i32) -> (i32, i32) {
    %c0_i32 = arith.constant 0 : i32
    %c0_i32_0 = arith.constant 0 : i32
    %c0_i32_1 = arith.constant 0 : i32
    return %c0_i32, %c0_i32_0 : i32, i32
  }
  func.func @transform_2(%arg0: i32) -> (i32, i32) {
    %c0_i32 = arith.constant 0 : i32
    %c0_i32_0 = arith.constant 0 : i32
    %c0_i32_1 = arith.constant 0 : i32
    return %c0_i32, %c0_i32_0 : i32, i32
  }
  func.func @transform_3(%arg0: i32) -> (i32, i32) {
    %c0_i32 = arith.constant 0 : i32
    %c0_i32_0 = arith.constant 0 : i32
    %c0_i32_1 = arith.constant 0 : i32
    return %c0_i32, %c0_i32_0 : i32, i32
  }
  func.func @transform_4(%arg0: i32) -> (i32, i32) {
    %c0_i32 = arith.constant 0 : i32
    %c0_i32_0 = arith.constant 0 : i32
    %c0_i32_1 = arith.constant 0 : i32
    return %c0_i32, %c0_i32_0 : i32, i32
  }
  func.func @transform_5(%arg0: i32) -> (i32, i32) {
    %c0_i32 = arith.constant 0 : i32
    %c0_i32_0 = arith.constant 0 : i32
    %c0_i32_1 = arith.constant 0 : i32
    return %c0_i32, %c0_i32_0 : i32, i32
  }
  func.func @transform_6(%arg0: i32) -> (i32, i32) {
    %c0_i32 = arith.constant 0 : i32
    %c0_i32_0 = arith.constant 0 : i32
    %c0_i32_1 = arith.constant 0 : i32
    return %c0_i32, %c0_i32_0 : i32, i32
  }
  func.func @transform_7(%arg0: i32) -> (i32, i32) {
    %c0_i32 = arith.constant 0 : i32
    %c0_i32_0 = arith.constant 0 : i32
    %c0_i32_1 = arith.constant 0 : i32
    return %c0_i32, %c0_i32_0 : i32, i32
  }
  func.func @transform_8(%arg0: i32) -> (i32, i32) {
    %c0_i32 = arith.constant 0 : i32
    %c0_i32_0 = arith.constant 0 : i32
    %c0_i32_1 = arith.constant 0 : i32
    return %c0_i32, %c0_i32_0 : i32, i32
  }
  func.func @transform_10(%arg0: i32) -> (i32, i32) {
    %c0_i32 = arith.constant 0 : i32
    %c0_i32_0 = arith.constant 0 : i32
    %c0_i32_1 = arith.constant 0 : i32
    return %c0_i32, %c0_i32_0 : i32, i32
  }
  func.func @transform_11(%arg0: i32) -> (i32, i32) {
    %c0_i32 = arith.constant 0 : i32
    %c0_i32_0 = arith.constant 0 : i32
    %c0_i32_1 = arith.constant 0 : i32
    return %c0_i32, %c0_i32_0 : i32, i32
  }
  func.func @transform_12(%arg0: i32) -> (i32, i32) {
    %c0_i32 = arith.constant 0 : i32
    %c0_i32_0 = arith.constant 0 : i32
    %c0_i32_1 = arith.constant 0 : i32
    return %c0_i32, %c0_i32_0 : i32, i32
  }
  func.func @transform_13(%arg0: i32) -> (i32, i32) {
    %c0_i32 = arith.constant 0 : i32
    %c0_i32_0 = arith.constant 0 : i32
    %c0_i32_1 = arith.constant 0 : i32
    return %c0_i32, %c0_i32_0 : i32, i32
  }
  func.func @transform_14(%arg0: i32) -> (i32, i32) {
    %c0_i32 = arith.constant 0 : i32
    %c0_i32_0 = arith.constant 0 : i32
    %c0_i32_1 = arith.constant 0 : i32
    return %c0_i32, %c0_i32_0 : i32, i32
  }
}

</mosaic_0001>

<sc_bundles>
// kernel: kernel.4.cloned.1.call-start
scs
__scs_entry_jumppad:
0x0: {  	(pc) =	sbr.rel $0x88, $3  }
0x1: {  	(tag) =	ssettag $0x0;
	lr =	simm.s32 $0x1  }
0x2: {  	[smem:$0x3F93] =	sst lr;
	_ =	strace $0xD0000000  }
0x3: {  	_ = 	snop  }
0x4: {  	_ = 	snop  }
0x5: {  	_ = 	snop  }
0x6: {  	_ = 	snop  }
0x7: {  	_ = 	snop  }
__scs_overlays_trampoline_lowered:
0x8: {  	[smem:$0x3FA2] =	sst s0  }
0x9: {  	[smem:$0x3FA3] =	sst s1  }
0xa: {  	[smem:$0x3FA4] =	sst s2  }
0xb: {  	[smem:$0x3FA5] =	sst s3  }
0xc: {  	[smem:$0x3FA6] =	sst s4  }
0xd: {  	[smem:$0x3FA7] =	sst s5  }
0xe: {  	[smem:$0x3FA8] =	sst s6  }
0xf: {  	[smem:$0x3FA9] =	sst s7  }
0x10: {  	[smem:$0x3FAA] =	sst s8  }
0x11: {  	[smem:$0x3FAB] =	sst s9;
	s0 =	simm.s32 @!p0 $0x0  }
0x12: {  	s1 =	sld [smem:$0x3F91];
	s0 =	simm.s32 @p0 $0x1  }
0x13: {  	[smem:$0x3FAC] =	sst s0;
	s0 =	simm.s32 @!p1 $0x0  }
0x14: {  	s2 =	sld [smem:$0x3F90];
	s0 =	simm.s32 @p1 $0x1  }
0x15: {  	[smem:$0x3FAD] =	sst s0;
	s0 =	simm.s32 @!p2 $0x0  }
0x16: {  	s3 =	sld [smem:$0x3FDB];
	s0 =	simm.s32 @p2 $0x1  }
0x17: {  	s4 =	simm.s32 $0x1BF5;
	[smem:$0x3FAF] =	sst s0  }
0x18: {  	s0 =	sld [smem:$0x3F92];
	_ =	swait.ge [sflag:s4], $0x0  }
0x19: {  	s7 =	sld [smem:$0x3F93]  }
0x1a: {  	s8 =	sadd.s32 $0xFFFFE003, lr  }
0x1b: {  	s9 =	sadd.s32 $0xFFFFFEF7, lr;
	s5 =	simm.s32 $0xFFFFFFFF;
	p2 =	slt.u32 s8, $0xFFFFF086  }
0x1c: {  	p1 =	slt.u32 s9, $0xF7A;
	s5 =	simm.s32 @!p2 $0x0  }
0x1d: {  	s5 =	simm.s32 @p1 $0x1;
	p0 =	seq.s32 s7, s2  }
0x1e: {  	s7 =	smul.u32 @!p0 $0xF7A, s2;
	p2 =	seq.s32 @!p0 s5, $0x0  }
0x1f: {  	s9 =	smul.u32 $0xF7A, s1;
	s8 =	simm.s32 @!p0 $0x1BF5;
	p2 =	por !p2, p0  }
0x20: {  	[sflag:s8] =	ssyncset.s32 @!p0 $0xFFFFF086;
	s6 =	sadd.s32 @!p0 s3, s7;
	s7 =	simm.s32 @!p0 $0x108  }
0x21: {  	s3 =	sadd.s32 s3, s9;
	s6 =	sadd.s32 @!p0 $0x88, s6;
	s7 =	simm.s32 @p2 $0x1082  }
0x22: {  	[simem:s7], [sflag:s8] =	dma.local @!p0 [hbm:s6], $0xF7A  }
0x23: {  	s9 =	sor.u32 $0xD0000000, s2;
	s6 =	simm.s32 $0x108;
	_ =	swait.ge @!p0 [sflag:s8], $0x0  }
0x24: {  	s3 =	sadd.s32 $0x88, s3;
	s6 =	simm.s32 @!p1 $0x1082;
	[sflag:s4] =	ssyncset.s32 $0xFFFFF086  }
0x25: {  	[simem:s6], [sflag:s4] =	dma.local [hbm:s3], $0xF7A  }
0x26: {  	[smem:$0x3F93] =	sst s1;
	(tag) =	ssettag s2;
	_ =	strace s9  }
0x27: {  	s1 =	sld [smem:$0x3FA3]  }
0x28: {  	s2 =	sld [smem:$0x3FA4]  }
0x29: {  	s4 =	sld [smem:$0x3FA6]  }
0x2a: {  	p0 =	seq.s32 s5, $0x0;
	s5 =	sld [smem:$0x3FA7]  }
0x2b: {  	s6 =	sld [smem:$0x3FA8]  }
0x2c: {  	s7 =	sld [smem:$0x3FA9]  }
0x2d: {  	s3 =	simm.s32 $0x108;
	s8 =	sld [smem:$0x3FAA]  }
0x2e: {  	s3 =	simm.s32 @!p0 $0x1082;
	s9 =	sld [smem:$0x3FAB]  }
0x2f: {  	lr =	sadd.s32 s0, s3;
	s0 =	sld [smem:$0x3FA2]  }
0x30: {  	s3 =	sld [smem:$0x3FA5]  }
0x31: {  	[smem:$0x3FAE] =	sst s10  }
0x32: {  	s10 =	sld [smem:$0x3FAC];
	_ =	sdelay $0x3  }
0x33: {  	p0 =	seq.s32 s10, $0x1;
	s10 =	sld [smem:$0x3FAE];
	_ =	sdelay $0x3  }
0x34: {  	[smem:$0x3FAE] =	sst s10  }
0x35: {  	s10 =	sld [smem:$0x3FAD];
	_ =	sdelay $0x3  }
0x36: {  	p1 =	seq.s32 s10, $0x1;
	s10 =	sld [smem:$0x3FAE];
	_ =	sdelay $0x3  }
0x37: {  	[smem:$0x3FAE] =	sst s10  }
0x38: {  	s10 =	sld [smem:$0x3FAF]  }
0x39: {  	_ = 	snop;
	(pc) =	sbr.ind lr, $3  }
0x3a: {  	_ = 	snop  }
0x3b: {  	_ = 	snop  }
0x3c: {  	p2 =	seq.s32 s10, $0x1;
	s10 =	sld [smem:$0x3FAE]  }
0x3d: {  	_ =	shalt  }
0x3e: {  	_ =	shalt  }
0x3f: {  	_ =	shalt  }
0x40: {  	_ =	shalt  }
0x41: {  	_ =	shalt  }
0x42: {  	_ =	shalt  }
0x43: {  	_ =	shalt  }
0x44: {  	_ =	shalt  }
0x45: {  	_ =	shalt  }
0x46: {  	_ =	shalt  }
0x47: {  	_ =	shalt  }
0x48: {  	_ =	shalt  }
0x49: {  	_ =	shalt  }
0x4a: {  	_ =	shalt  }
0x4b: {  	_ =	shalt  }
0x4c: {  	_ =	shalt  }
0x4d: {  	_ =	shalt  }
0x4e: {  	_ =	shalt  }
0x4f: {  	_ =	shalt  }
0x50: {  	_ =	shalt  }
0x51: {  	_ =	shalt  }
0x52: {  	_ =	shalt  }
0x53: {  	_ =	shalt  }
0x54: {  	_ =	shalt  }
0x55: {  	_ =	shalt  }
0x56: {  	_ =	shalt  }
0x57: {  	_ =	shalt  }
0x58: {  	_ =	shalt  }
0x59: {  	_ =	shalt  }
0x5a: {  	_ =	shalt  }
0x5b: {  	_ =	shalt  }
0x5c: {  	_ =	shalt  }
0x5d: {  	_ =	shalt  }
0x5e: {  	_ =	shalt  }
0x5f: {  	_ =	shalt  }
0x60: {  	_ =	shalt  }
0x61: {  	_ =	shalt  }
0x62: {  	_ =	shalt  }
0x63: {  	_ =	shalt  }
0x64: {  	_ =	shalt  }
0x65: {  	_ =	shalt  }
0x66: {  	_ =	shalt  }
0x67: {  	_ =	shalt  }
0x68: {  	_ =	shalt  }
0x69: {  	_ =	shalt  }
0x6a: {  	_ =	shalt  }
0x6b: {  	_ =	shalt  }
0x6c: {  	_ =	shalt  }
0x6d: {  	_ =	shalt  }
0x6e: {  	_ =	shalt  }
0x6f: {  	_ =	shalt  }
0x70: {  	_ =	shalt  }
0x71: {  	_ =	shalt  }
0x72: {  	_ =	shalt  }
0x73: {  	_ =	shalt  }
0x74: {  	_ =	shalt  }
0x75: {  	_ =	shalt  }
0x76: {  	_ =	shalt  }
0x77: {  	_ =	shalt  }
0x78: {  	_ =	shalt  }
0x79: {  	_ =	shalt  }
0x7a: {  	_ =	shalt  }
0x7b: {  	_ =	shalt  }
0x7c: {  	_ =	shalt  }
0x7d: {  	_ =	shalt  }
0x7e: {  	_ =	shalt  }
0x7f: {  	_ =	shalt  }
0x80: {  	_ =	shalt  }
0x81: {  	_ =	shalt  }
0x82: {  	_ =	shalt  }
0x83: {  	_ =	shalt  }
0x84: {  	_ =	shalt  }
0x85: {  	_ =	shalt  }
0x86: {  	_ =	shalt  }
0x87: {  	_ =	shalt  }
.Lfunc_end0:
.L_simem_size_0:
called_computation_lowered:
.L_overlay_start_0:
0x88: {  	s2 =	sld [smem:$0x3FD9]  }
0x89: {  	s3 =	sld [smem:$0x3FFE];
	_ =	sdelay $0x1  }
0x8a: {  	s1 =	srdreg.scid  }
0x8b: {  	s0 =	sand.u32 $0x1, s1  }
0x8c: {  	s16 =	sshll.u32 s0, $0xA;
	s2 =	sadd.s32 s3, s2  }
0x8d: {  	s2 =	sadd.s32 s2, s16  }
0x8e: {  	[smem:$0x3FBA] =	sst s2  }
0x8f: {  	_ = 	snop  }
0x90: {  	(tm) =	ssettm $0x1  }
0x91: {  	s17 =	sld [smem:$0x3FFB];
	_ =	sdelay $0x3  }
0x92: {  	_ =	strace s17  }
0x93: {  	s2 =	sld [smem:$0x3FFC];
	_ =	sdelay $0x3  }
0x94: {  	_ =	strace s2  }
0x95: {  	s2 =	sld [smem:$0x3FFD];
	_ =	sdelay $0x3  }
0x96: {  	_ =	strace s2  }
0x97: {  	_ =	strace $0x8FFFFFFF  }
0x98: {  	s18 =	sld [smem:$0x3FDB];
	_ =	sdelay $0x1  }
0x99: {  	s19 =	simm.s32 $_scs_section_size  }
0x9a: {  	s4 =	simm.s32 $_size__tile_overlayer_lowered;
	s5 =	simm.s32 $_tile_overlayer_lowered  }
0x9b: {  	s22 =	simm.s32 $0x1BFF;
	s21 =	sshll.u32 s5, $0x1;
	s2 =	sadd.s32 s19, s18  }
0x9c: {  	s6 =	simm.s32 $0x0;
	s20 =	sshll.u32 s4, $0x1;
	s4 =	sadd.s32 s21, s2  }
0x9d: {  	[timem:s6], [sflag:s22] =	dma.local [hbm:s4], s20  }
0x9e: {  	_ =	swait.ge [sflag:s22], s20  }
0x9f: {  	s3 =	ssub.s32 $0x0, s20;
	[sflag:s22] =	ssyncset.done $0x0  }
0xa0: {  	[sflag:s22] =	ssyncadd.s32 s3;
	_ =	sdelay $0x1  }
0xa1: {  	s23 =	simm.s32 $0x1B8B  }
0xa2: {  	_ =	swait.ge [sflag:s23], $0x1  }
0xa3: {  	[sflag:s23] =	ssyncset.done $0x0  }
0xa4: {  	s25 =	simm.s32 $0x1B8E;
	s24 =	sld [smem:$0x3FFE];
	[sflag:s23] =	ssyncadd.s32 $0xFFFFFFFF  }
0xa5: {  	s26 =	simm.s32 $execute0_lowered;
	[smem:$0x3FD2] =	sst s25  }
0xa6: {  	s4 =	sshll.u32 s26, $0x1;
	_ =	strace $0x80000046;
	[dreg:$0x1] =	wrdreg $0xFFFFFFFF  }
0xa7: {  	s28 =	simm.s32 $_size_execute0_lowered;
	s2 =	sadd.s32 s2, s4;
	[dreg:$0x0] =	wrdreg $0x0  }
0xa8: {  	s4 =	sshll.u32 s28, $0x1;
	[dreg:$0x2] =	wrdreg s2  }
0xa9: {  	[dreg:$0x3] =	wrdreg s4  }
0xaa: {  	[dreg:$0x4] =	wrdreg $0xC0  }
0xab: {  	_ =	task [dreg:s6], $0x5FFFF  }
0xac: {  	[dreg:$0x1] =	wrdreg $0xFFFFFFFF  }
0xad: {  	[dreg:$0x0] =	wrdreg $0x60  }
0xae: {  	[dreg:$0x2] =	wrdreg s24  }
0xaf: {  	[dreg:$0x3] =	wrdreg $0x68800  }
0xb0: {  	[dreg:$0x4] =	wrdreg $0x9  }
0xb1: {  	_ =	task.clear_ibuf [dreg:s6], $0x5FFFF;
	_ =	strace $0x90000046  }
0xb2: {  	s29 =	simm.s32 $0x9;
	_ =	strace $0x80000048  }
0xb3: {  	_ =	swait.ge [sflag:s29], $0x1  }
0xb4: {  	[sflag:s29] =	ssyncadd.s32 $0xFFFFFFFF  }
0xb5: {  	_ =	strace $0x90000048  }
0xb6: {  	_ =	sfence  }
0xb7: {  	s30 =	sld [smem:$0x0];
	_ =	sdelay $0x2  }
0xb8: {  	s31 =	sshll.u32 s1, $0xD;
	s1 =	sshrl.u32 s1, $0x2  }
0xb9: {  	s3 =	sand.u32 $0x4000, s31;
	s1 =	sadd.s32 s1, s30  }
0xba: {  	s0 =	sor.u32 s3, s0;
	s1 =	sshll.u32 s1, $0x11  }
0xbb: {  	s0 =	sor.u32 s1, s0  }
0xbc: {  	s0 =	sadd.s32 $0x8F2B, s0  }
0xbd: {  	[sflag:s0] =	ssyncadd.remote.s32 $0x1  }
0xbe: {  	_ =	sfence.sel $0xFFFF  }
0xbf: {  	[dreg:$0x0] =	wrdreg $0xFFFFFFFF;
	(pc) =	sbr.abs _section_cstart, $3  }
0xc0: {  	[dreg:$0x1] =	wrdreg $0xFFFFFFFF  }
0xc1: {  	_ =	task.clear_ibuf [dreg:s6], $0x2FFFF;
	_ =	strace $0x9FFFFFFF  }
0xc2: {  	(tm) =	ssettm $0x7FFFFFFF  }
0xc3: {  	_ =	shalt  }
tec
execute0_lowered:
.L_overlay_start_1:
0x0: {  	(tag) =	ssettag $0x1  }
0x1: {  	s4 =	rddreg [dreg:$0x0]  }
0x2: {  	s2 =	rddreg [dreg:$0x1]  }
0x3: {  	s5 =	srdreg.scid;
	s3 =	simm.s32 $0x0;
	s1 =	stileid.u32  }
0x4: {  	s16 =	simm.s32 $0x2;
	s17 =	simm.s32 $0x2000;
	s18 =	simm.s32 $0x6080  }
0x5: {  	s19 =	simm.s32 $0x80;
	s20 =	simm.s32 $0x6000;
	s21 =	simm.s32 $0x1  }
0x6: {  	s24 =	simm.s32 $0x20;
	s25 =	simm.s32 $0x10;
	s26 =	simm.s32 $0x0  }
0x7: {  	s5 =	sand.u32 $0x1, s5;
	[smem:$0x7FF] =	sst s3;
	s7 =	sshll.u32 s1, $0xA  }
0x8: {  	s31 =	sshll.u32 s1, $0xE;
	s14 =	sshll.u32 s1, $0xC;
	s22 =	sshll.u32 s1, $0x6  }
0x9: {  	s6 =	sshll.u32 s5, $0xE;
	_ =	strace $0x80000047;
	s29 =	sshll.u32 s5, $0x4  }
0xa: {  	s5 =	ssub.s32 $0x2, s5;
	s22 =	sor.u32 $0x1C02, s22;
	s6 =	sor.u32 s7, s6  }
0xb: {  	s13 =	sadd.s32 s29, s4;
	s30 =	sshrl.u32 s5, $0x1;
	s6 =	sadd.s32 s6, s4  }
0xc: {  	s15 =	ssub.s32 s5, s30;
	s5 =	sadd.s32 s31, s2;
	s14 =	sadd.s32 s14, s13  }
0xd: {  	s4 =	sadd.s32 $0x2600, s6;
	s6 =	sadd.s32 $0xA600, s6;
	s7 =	sadd.s32 $0x800, s5  }
0xe: {  	s8 =	sadd.s32 $0x1000, s5;
	s9 =	sadd.s32 $0x1800, s5;
	s10 =	sadd.s32 $0x2000, s5  }
0xf: {  	s11 =	sadd.s32 $0x2800, s5;
	s12 =	sadd.s32 $0x3000, s5;
	s13 =	sadd.s32 $0x3800, s5  }
0x10: {  	v0 =	vimm.f32 $1.000000000e+00;
	v1 =	vimm.f32 $0.0e+00;
	s14 =	sadd.s32 $0x12600, s14;
	s15 =	smax.u32 s15, $0x1;
	s23 =	sshrl.u32 s5, $0x3  }
.LBB2_1:
0x11: {  	[tilespmem:s3], [sflag:$0x2] =	stream.linear.gather [hbm4b:s4+s3], $0x2000, $0x38;
	[tilespmem:$0xA880] =	vst v63  }
0x12: {  	_ =	swait.ge [sflag:s16], $0x2000  }
0x13: {  	[sflag:s16] =	ssyncset.done $0x0  }
0x14: {  	[sflag:s16] =	ssyncadd.s32 $0xFFFFE000  }
0x15: {  	[tilespmem:s17], [sflag:$0x2] =	stream.linear.gather [hbm4b:s6+s3], $0x2000, $0x38;
	[tilespmem:$0xA880] =	vst v63  }
0x16: {  	_ =	swait.ge [sflag:s16], $0x2000  }
0x17: {  	[sflag:s16] =	ssyncset.done $0x0  }
0x18: {  	[sflag:s16] =	ssyncadd.s32 $0xFFFFE000  }
0x19: {  	[tilespmem:$0x6000] =	vst v0  }
0x1a: {  	[tilespmem:$0x6010] =	vst v0  }
0x1b: {  	[tilespmem:$0x6020] =	vst v0  }
0x1c: {  	[tilespmem:$0x6030] =	vst v0  }
0x1d: {  	[tilespmem:$0x6040] =	vst v0  }
0x1e: {  	[tilespmem:$0x6050] =	vst v0  }
0x1f: {  	[tilespmem:$0x6060] =	vst v0  }
0x20: {  	s28 =	simm.s32 $0x0;
	s29 =	simm.s32 $0x200;
	[tilespmem:$0x6070] =	vst v0  }
.LBB2_2:
0x21: {  	p0 =	sne.s32 s29, $0x1E00;
	[tilespmem:s28+$0x60F0] =	vst v1  }
0x22: {  	[tilespmem:s28+$0x6080] =	vst v1  }
0x23: {  	[tilespmem:s28+$0x6090] =	vst v1  }
.Ltmp0:
0x24: {  	[tilespmem:s28+$0x60A0] =	vst v1;
	(pc) =	sbr.rel @p0 .LBB2_2-.Ltmp0, $4  }
0x25: {  	[tilespmem:s28+$0x60B0] =	vst v1  }
0x26: {  	[tilespmem:s28+$0x60C0] =	vst v1  }
0x27: {  	[tilespmem:s28+$0x60D0] =	vst v1  }
0x28: {  	[tilespmem:s28+$0x60E0] =	vst v1;
	s28 =	sshra.s32 s29, $0x2;
	s29 =	sadd.s32 $0x200, s29  }
0x29: {  	[tilespmem:s28+$0x60F0] =	vst v1  }
0x2a: {  	[tilespmem:s28+$0x6080] =	vst v1  }
0x2b: {  	[tilespmem:s28+$0x6090] =	vst v1  }
0x2c: {  	[tilespmem:s28+$0x60A0] =	vst v1  }
0x2d: {  	[tilespmem:s28+$0x60B0] =	vst v1  }
0x2e: {  	[tilespmem:s28+$0x60C0] =	vst v1  }
0x2f: {  	[tilespmem:s28+$0x60D0] =	vst v1  }
0x30: {  	[tilespmem:s28+$0x60E0] =	vst v1  }
0x31: {  	[spmem:s5] =	stream.linear.scatter [tilespmem:s18], [sflag:$0x2], $0x800, $0x38;
	[tilespmem:$0xA880] =	vst v63  }
0x32: {  	_ =	swait.ge [sflag:s16], $0x800  }
0x33: {  	[sflag:s16] =	ssyncset.done $0x0  }
0x34: {  	[sflag:s16] =	ssyncadd.s32 $0xFFFFF800  }
0x35: {  	[spmem:s7] =	stream.linear.scatter [tilespmem:s18], [sflag:$0x2], $0x800, $0x38;
	[tilespmem:$0xA880] =	vst v63  }
0x36: {  	_ =	swait.ge [sflag:s16], $0x800  }
0x37: {  	[sflag:s16] =	ssyncset.done $0x0  }
0x38: {  	[sflag:s16] =	ssyncadd.s32 $0xFFFFF800  }
0x39: {  	[spmem:s8] =	stream.linear.scatter [tilespmem:s18], [sflag:$0x2], $0x800, $0x38;
	[tilespmem:$0xA880] =	vst v63  }
0x3a: {  	_ =	swait.ge [sflag:s16], $0x800  }
0x3b: {  	[sflag:s16] =	ssyncset.done $0x0  }
0x3c: {  	[sflag:s16] =	ssyncadd.s32 $0xFFFFF800  }
0x3d: {  	[spmem:s9] =	stream.linear.scatter [tilespmem:s18], [sflag:$0x2], $0x800, $0x38;
	[tilespmem:$0xA880] =	vst v63  }
0x3e: {  	_ =	swait.ge [sflag:s16], $0x800  }
0x3f: {  	[sflag:s16] =	ssyncset.done $0x0  }
0x40: {  	[sflag:s16] =	ssyncadd.s32 $0xFFFFF800  }
0x41: {  	[spmem:s10] =	stream.linear.scatter [tilespmem:s18], [sflag:$0x2], $0x800, $0x38;
	[tilespmem:$0xA880] =	vst v63  }
0x42: {  	_ =	swait.ge [sflag:s16], $0x800  }
0x43: {  	[sflag:s16] =	ssyncset.done $0x0  }
0x44: {  	[sflag:s16] =	ssyncadd.s32 $0xFFFFF800  }
0x45: {  	[spmem:s11] =	stream.linear.scatter [tilespmem:s18], [sflag:$0x2], $0x800, $0x38;
	[tilespmem:$0xA880] =	vst v63  }
0x46: {  	_ =	swait.ge [sflag:s16], $0x800  }
0x47: {  	[sflag:s16] =	ssyncset.done $0x0  }
0x48: {  	[sflag:s16] =	ssyncadd.s32 $0xFFFFF800  }
0x49: {  	[spmem:s12] =	stream.linear.scatter [tilespmem:s18], [sflag:$0x2], $0x800, $0x38;
	[tilespmem:$0xA880] =	vst v63  }
0x4a: {  	_ =	swait.ge [sflag:s16], $0x800  }
0x4b: {  	[sflag:s16] =	ssyncset.done $0x0  }
0x4c: {  	[sflag:s16] =	ssyncadd.s32 $0xFFFFF800  }
0x4d: {  	[spmem:s13] =	stream.linear.scatter [tilespmem:s18], [sflag:$0x2], $0x800, $0x38;
	[tilespmem:$0xA880] =	vst v63  }
0x4e: {  	_ =	swait.ge [sflag:s16], $0x800  }
0x4f: {  	[sflag:s16] =	ssyncset.done $0x0  }
0x50: {  	s28 =	simm.s32 $0x0;
	[sflag:s16] =	ssyncadd.s32 $0xFFFFF800  }
0x51: {  	v2 =	vld [tilespmem:s28+$0x2070]  }
0x52: {  	v3 =	vld [tilespmem:s28+$0x70]  }
0x53: {  	v4 =	vld [tilespmem:s28+$0x2000]  }
0x54: {  	v5 =	vld [tilespmem:s28+$0x2010]  }
0x55: {  	v6 =	vld [tilespmem:s28+$0x2020]  }
0x56: {  	v21 =	vld [tilespmem:s28+$0x0]  }
0x57: {  	v19 =	vld [tilespmem:s28+$0x2050]  }
0x58: {  	v16 =	vld [tilespmem:s28+$0x2040]  }
0x59: {  	v7 =	vld [tilespmem:s28+$0x2030];
	v8 =	vshll.u32 v2, $0x9;
	v3 =	vshll.u32 v3, $0x7;
	v9 =	vshll.u32 v4, $0x9  }
0x5a: {  	v22 =	vld [tilespmem:s28+$0x10];
	v2 =	vand.u32 $0x7F, v2;
	v13 =	vand.u32 $0x7F, v4;
	v14 =	vand.u32 $0x7F, v5  }
0x5b: {  	v10 =	vand.u32 $0x7F, v6;
	v21 =	vshll.u32 v21, $0x7;
	v8 =	vand.u32 $0xFFFF0000, v8  }
0x5c: {  	v4 =	vand.u32 $0x7F, v19;
	v20 =	vand.u32 $0xFFFF0000, v9;
	v3 =	vadd.s32 v3, v8;
	v8 =	vld [tilespmem:s28+$0x2060]  }
0x5d: {  	v9 =	vshll.u32 v5, $0x9;
	v5 =	vand.u32 $0x7F, v16;
	v2 =	vor.u32 v2, v3  }
0x5e: {  	v18 =	vld [tilespmem:s28+$0x20];
	v11 =	vand.u32 $0xFFFF0000, v9;
	v21 =	vadd.s32 v21, v20;
	[tilespmem:s28+$0x4070] =	vst v2;
	v2 =	vshll.u32 v7, $0x9  }
0x5f: {  	v17 =	vld [tilespmem:s28+$0x30];
	v20 =	vshll.u32 v22, $0x7;
	v9 =	vand.u32 $0xFFFF0000, v2;
	v2 =	vshll.u32 v16, $0x9  }
0x60: {  	v15 =	vld [tilespmem:s28+$0x40];
	v3 =	vshll.u32 v6, $0x9;
	v6 =	vand.u32 $0xFFFF0000, v2;
	v2 =	vshll.u32 v19, $0x9  }
0x61: {  	v12 =	vand.u32 $0xFFFF0000, v3;
	v16 =	vld [tilespmem:s28+$0x50];
	v3 =	vand.u32 $0xFFFF0000, v2;
	v2 =	vshll.u32 v8, $0x9  }
0x62: {  	s29 =	simm.s32 $0x80;
	s30 =	simm.s32 $0x400;
	v7 =	vand.u32 $0x7F, v7;
	v19 =	vld [tilespmem:s28+$0x60];
	v8 =	vand.u32 $0x7F, v8;
	v2 =	vand.u32 $0xFFFF0000, v2  }
.LBB2_4:
0x63: {  	p0 =	sne.s32 s30, $0x7E00;
	v22 =	vld [tilespmem:s29+$0x2070];
	v13 =	vor.u32 v13, v21;
	v11 =	vadd.s32 v20, v11;
	v18 =	vshll.u32 v18, $0x7  }
0x64: {  	v20 =	vld [tilespmem:s29+$0x70];
	[tilespmem:s28+$0x4000] =	vst v13;
	v11 =	vor.u32 v14, v11;
	v12 =	vadd.s32 v18, v12;
	v13 =	vshll.u32 v17, $0x7  }
0x65: {  	v14 =	vld [tilespmem:s29+$0x2000];
	[tilespmem:s28+$0x4010] =	vst v11;
	v10 =	vor.u32 v10, v12;
	v9 =	vadd.s32 v13, v9;
	v11 =	vshll.u32 v15, $0x7  }
0x66: {  	v12 =	vld [tilespmem:s29+$0x2010];
	[tilespmem:s28+$0x4020] =	vst v10;
	v7 =	vor.u32 v7, v9;
	v6 =	vadd.s32 v11, v6;
	v9 =	vshll.u32 v16, $0x7  }
0x67: {  	v10 =	vld [tilespmem:s29+$0x2020];
	[tilespmem:s28+$0x4030] =	vst v7;
	v5 =	vor.u32 v5, v6;
	v3 =	vadd.s32 v9, v3;
	v6 =	vshll.u32 v19, $0x7  }
0x68: {  	v7 =	vld [tilespmem:s29+$0x2030];
	v9 =	vshll.u32 v22, $0x9;
	[tilespmem:s28+$0x4040] =	vst v5;
	v3 =	vor.u32 v4, v3;
	v2 =	vadd.s32 v6, v2  }
0x69: {  	v4 =	vld [tilespmem:s29+$0x2040];
	v5 =	vand.u32 $0xFFFF0000, v9;
	v6 =	vshll.u32 v20, $0x7;
	[tilespmem:s28+$0x4050] =	vst v3;
	v2 =	vor.u32 v8, v2  }
0x6a: {  	v9 =	vand.u32 $0x7F, v22;
	v3 =	vshll.u32 v14, $0x9;
	v8 =	vld [tilespmem:s29+$0x2050];
	v5 =	vadd.s32 v6, v5;
	[tilespmem:s28+$0x4060] =	vst v2;
	s28 =	smov.u32 s29  }
0x6b: {  	v19 =	vand.u32 $0xFFFF0000, v3;
	v2 =	vshll.u32 v12, $0x9;
	v22 =	vld [tilespmem:s28+$0x2060];
	v3 =	vor.u32 v9, v5  }
0x6c: {  	v13 =	vand.u32 $0x7F, v14;
	v16 =	vld [tilespmem:s28+$0x0];
	v11 =	vand.u32 $0xFFFF0000, v2;
	v2 =	vshll.u32 v10, $0x9;
	[tilespmem:s28+$0x4070] =	vst v3  }
0x6d: {  	v14 =	vand.u32 $0x7F, v12;
	v20 =	vld [tilespmem:s28+$0x10];
	v12 =	vand.u32 $0xFFFF0000, v2;
	v2 =	vshll.u32 v7, $0x9  }
.Ltmp1:
0x6e: {  	v10 =	vand.u32 $0x7F, v10;
	v18 =	vld [tilespmem:s28+$0x20];
	v9 =	vand.u32 $0xFFFF0000, v2;
	v2 =	vshll.u32 v4, $0x9;
	(pc) =	sbr.rel @p0 .LBB2_4-.Ltmp1, $4  }
0x6f: {  	v7 =	vand.u32 $0x7F, v7;
	v17 =	vld [tilespmem:s28+$0x30];
	v6 =	vand.u32 $0xFFFF0000, v2;
	v2 =	vshll.u32 v8, $0x9  }
0x70: {  	v5 =	vand.u32 $0x7F, v4;
	v15 =	vld [tilespmem:s28+$0x40];
	v3 =	vand.u32 $0xFFFF0000, v2;
	v2 =	vshll.u32 v22, $0x9  }
0x71: {  	v4 =	vand.u32 $0x7F, v8;
	v21 =	vshll.u32 v16, $0x7;
	v16 =	vld [tilespmem:s28+$0x50];
	v2 =	vand.u32 $0xFFFF0000, v2  }
0x72: {  	s29 =	sshra.s32 s30, $0x2;
	s30 =	sadd.s32 $0x200, s30;
	v8 =	vand.u32 $0x7F, v22;
	v21 =	vadd.s32 v21, v19;
	v20 =	vshll.u32 v20, $0x7;
	v19 =	vld [tilespmem:s28+$0x60]  }
0x73: {  	v22 =	vld [tilespmem:s29+$0x2070];
	v13 =	vor.u32 v13, v21;
	v11 =	vadd.s32 v20, v11;
	v31 =	vshll.u32 v18, $0x7  }
0x74: {  	v30 =	vld [tilespmem:s29+$0x70];
	[tilespmem:s28+$0x4000] =	vst v13;
	v11 =	vor.u32 v14, v11;
	v12 =	vadd.s32 v31, v12;
	v33 =	vshll.u32 v17, $0x7  }
0x75: {  	v32 =	vld [tilespmem:s29+$0x2000];
	[tilespmem:s28+$0x4010] =	vst v11;
	v10 =	vor.u32 v10, v12;
	v9 =	vadd.s32 v33, v9;
	v35 =	vshll.u32 v15, $0x7  }
0x76: {  	v34 =	vld [tilespmem:s29+$0x2010];
	[tilespmem:s28+$0x4020] =	vst v10;
	v7 =	vor.u32 v7, v9;
	v6 =	vadd.s32 v35, v6;
	v37 =	vshll.u32 v16, $0x7  }
0x77: {  	v36 =	vld [tilespmem:s29+$0x2020];
	[tilespmem:s28+$0x4030] =	vst v7;
	v5 =	vor.u32 v5, v6;
	v3 =	vadd.s32 v37, v3;
	v39 =	vshll.u32 v19, $0x7  }
0x78: {  	v38 =	vld [tilespmem:s29+$0x2030];
	[tilespmem:s28+$0x4040] =	vst v5;
	v3 =	vor.u32 v4, v3;
	v2 =	vadd.s32 v39, v2  }
0x79: {  	v40 =	vld [tilespmem:s29+$0x2040];
	[tilespmem:s28+$0x4050] =	vst v3;
	v2 =	vor.u32 v8, v2  }
0x7a: {  	v42 =	vshll.u32 v30, $0x7;
	v3 =	vshll.u32 v22, $0x9;
	v41 =	vld [tilespmem:s29+$0x2050];
	[tilespmem:s28+$0x4060] =	vst v2  }
0x7b: {  	v3 =	vand.u32 $0xFFFF0000, v3;
	v2 =	vand.u32 $0x7F, v22;
	v44 =	vshll.u32 v32, $0x9;
	v43 =	vld [tilespmem:s29+$0x2060]  }
0x7c: {  	v46 =	vand.u32 $0x7F, v32;
	v3 =	vadd.s32 v42, v3;
	v45 =	vshll.u32 v34, $0x9;
	v47 =	vld [tilespmem:s29+$0x10]  }
0x7d: {  	v8 =	vand.u32 $0xFFFF0000, v44;
	v12 =	vand.u32 $0x7F, v34;
	v2 =	vor.u32 v2, v3;
	v3 =	vld [tilespmem:s29+$0x0]  }
0x7e: {  	v49 =	vld [tilespmem:s29+$0x20];
	v10 =	vand.u32 $0xFFFF0000, v45;
	v9 =	vand.u32 $0x7F, v36;
	[tilespmem:s29+$0x4070] =	vst v2;
	v2 =	vshll.u32 v36, $0x9  }
0x7f: {  	v51 =	vld [tilespmem:s29+$0x30];
	v48 =	vshll.u32 v38, $0x9;
	v6 =	vand.u32 $0x7F, v38;
	v2 =	vand.u32 $0xFFFF0000, v2  }
0x80: {  	v53 =	vld [tilespmem:s29+$0x40];
	v14 =	vand.u32 $0xFFFF0000, v48;
	v50 =	vshll.u32 v40, $0x9;
	v4 =	vand.u32 $0x7F, v40  }
0x81: {  	v55 =	vld [tilespmem:s29+$0x50];
	v52 =	vshll.u32 v41, $0x9;
	v16 =	vand.u32 $0xFFFF0000, v50;
	v5 =	vand.u32 $0x7F, v41  }
0x82: {  	v57 =	vld [tilespmem:s29+$0x60];
	v18 =	vand.u32 $0xFFFF0000, v52;
	v54 =	vshll.u32 v43, $0x9;
	v3 =	vshll.u32 v3, $0x7  }
0x83: {  	v56 =	vshll.u32 v47, $0x7;
	v58 =	vshll.u32 v49, $0x7;
	v3 =	vadd.s32 v3, v8  }
0x84: {  	v59 =	vshll.u32 v51, $0x7;
	v8 =	vadd.s32 v56, v10;
	v3 =	vor.u32 v46, v3  }
0x85: {  	v60 =	vshll.u32 v53, $0x7;
	v2 =	vadd.s32 v58, v2;
	[tilespmem:s29+$0x4000] =	vst v3;
	v3 =	vor.u32 v12, v8  }
0x86: {  	v61 =	vshll.u32 v55, $0x7;
	v2 =	vor.u32 v9, v2;
	[tilespmem:s29+$0x4010] =	vst v3;
	v3 =	vadd.s32 v59, v14  }
0x87: {  	v62 =	vshll.u32 v57, $0x7;
	[tilespmem:s29+$0x4020] =	vst v2;
	v2 =	vor.u32 v6, v3;
	v3 =	vadd.s32 v60, v16  }
0x88: {  	v20 =	vand.u32 $0xFFFF0000, v54;
	[tilespmem:s29+$0x4030] =	vst v2;
	v2 =	vor.u32 v4, v3;
	v3 =	vadd.s32 v61, v18  }
0x89: {  	v63 =	vand.u32 $0x7F, v43;
	[tilespmem:s29+$0x4040] =	vst v2;
	v2 =	vor.u32 v5, v3;
	v3 =	vadd.s32 v62, v20  }
0x8a: {  	[tilespmem:s29+$0x4050] =	vst v2;
	v2 =	vor.u32 v63, v3  }
0x8b: {  	[tilespmem:s29+$0x4060] =	vst v2  }
0x8c: {  	s0 =	simm.s32 $0x4000;
	[bflag:$0x0] =	sbarrier.arrive $0xFFFF  }
0x8d: {  	[spmem:s2] =	stream.indirect.scatter.add.f32 [tilespmem:s20], [sflag:$0x1], $0x1, s0, s19, $0xb8;
	[tilespmem:$0xA880] =	vst v63  }
0x8e: {  	s29 =	simm.s32 $0x4080  }
0x8f: {  	[spmem:s2] =	stream.indirect.scatter.add.f32 [tilespmem:s20], [sflag:$0x1], $0x1, s29, s19, $0xb8;
	[tilespmem:$0xA880] =	vst v63  }
0x90: {  	s0 =	simm.s32 $0x4100  }
0x91: {  	[spmem:s2] =	stream.indirect.scatter.add.f32 [tilespmem:s20], [sflag:$0x1], $0x1, s0, s19, $0xb8;
	[tilespmem:$0xA880] =	vst v63  }
0x92: {  	s29 =	simm.s32 $0x4180  }
0x93: {  	[spmem:s2] =	stream.indirect.scatter.add.f32 [tilespmem:s20], [sflag:$0x1], $0x1, s29, s19, $0xb8;
	[tilespmem:$0xA880] =	vst v63  }
0x94: {  	s0 =	simm.s32 $0x4200  }
0x95: {  	[spmem:s2] =	stream.indirect.scatter.add.f32 [tilespmem:s20], [sflag:$0x1], $0x1, s0, s19, $0xb8;
	[tilespmem:$0xA880] =	vst v63  }
0x96: {  	s29 =	simm.s32 $0x4280  }
0x97: {  	[spmem:s2] =	stream.indirect.scatter.add.f32 [tilespmem:s20], [sflag:$0x1], $0x1, s29, s19, $0xb8;
	[tilespmem:$0xA880] =	vst v63  }
0x98: {  	s0 =	simm.s32 $0x4300  }
0x99: {  	[spmem:s2] =	stream.indirect.scatter.add.f32 [tilespmem:s20], [sflag:$0x1], $0x1, s0, s19, $0xb8;
	[tilespmem:$0xA880] =	vst v63  }
0x9a: {  	s29 =	simm.s32 $0x4380  }
0x9b: {  	[spmem:s2] =	stream.indirect.scatter.add.f32 [tilespmem:s20], [sflag:$0x1], $0x1, s29, s19, $0xb8;
	[tilespmem:$0xA880] =	vst v63  }
0x9c: {  	_ =	swait.ge [sflag:s21], $0x80  }
0x9d: {  	[sflag:s21] =	ssyncset.done $0x0  }
0x9e: {  	[sflag:s21] =	ssyncadd.s32 $0xFFFFFF80  }
0x9f: {  	_ =	swait.ge [sflag:s21], $0x80  }
0xa0: {  	[sflag:s21] =	ssyncset.done $0x0  }
0xa1: {  	[sflag:s21] =	ssyncadd.s32 $0xFFFFFF80  }
0xa2: {  	_ =	swait.ge [sflag:s21], $0x80  }
0xa3: {  	[sflag:s21] =	ssyncset.done $0x0  }
0xa4: {  	[sflag:s21] =	ssyncadd.s32 $0xFFFFFF80  }
0xa5: {  	_ =	swait.ge [sflag:s21], $0x80  }
0xa6: {  	[sflag:s21] =	ssyncset.done $0x0  }
0xa7: {  	[sflag:s21] =	ssyncadd.s32 $0xFFFFFF80  }
0xa8: {  	_ =	swait.ge [sflag:s21], $0x80  }
0xa9: {  	[sflag:s21] =	ssyncset.done $0x0  }
0xaa: {  	[sflag:s21] =	ssyncadd.s32 $0xFFFFFF80  }
0xab: {  	_ =	swait.ge [sflag:s21], $0x80  }
0xac: {  	[sflag:s21] =	ssyncset.done $0x0  }
0xad: {  	[sflag:s21] =	ssyncadd.s32 $0xFFFFFF80  }
0xae: {  	_ =	swait.ge [sflag:s21], $0x80  }
0xaf: {  	[sflag:s21] =	ssyncset.done $0x0  }
0xb0: {  	[sflag:s21] =	ssyncadd.s32 $0xFFFFFF80  }
0xb1: {  	_ =	swait.ge [sflag:s21], $0x80  }
0xb2: {  	s31 =	simm.s32 $0x2000;
	s30 =	simm.s32 $0x400;
	[sflag:s21] =	ssyncset.done $0x0  }
.LBB2_6:
0xb3: {  	s0 =	sadd.s32 $0x4000, s30  }
0xb4: {  	[sflag:s21] =	ssyncadd.s32 $0xFFFFFF80;
	s29 =	smov.u32 s31;
	s28 =	sadd.s32 $0x1000, s31  }
0xb5: {  	[spmem:s2] =	stream.indirect.scatter.add.f32 [tilespmem:s20], [sflag:$0x1], $0x1, s0, s19, $0xb8;
	[tilespmem:$0xA880] =	vst v63  }
0xb6: {  	p0 =	sne.s32 s31, $0x7000;
	s0 =	sadd.s32 $0x4080, s30  }
0xb7: {  	[spmem:s2] =	stream.indirect.scatter.add.f32 [tilespmem:s20], [sflag:$0x1], $0x1, s0, s19, $0xb8;
	[tilespmem:$0xA880] =	vst v63  }
0xb8: {  	s0 =	sadd.s32 $0x4100, s30  }
0xb9: {  	[spmem:s2] =	stream.indirect.scatter.add.f32 [tilespmem:s20], [sflag:$0x1], $0x1, s0, s19, $0xb8;
	[tilespmem:$0xA880] =	vst v63  }
0xba: {  	s0 =	sadd.s32 $0x4180, s30  }
0xbb: {  	[spmem:s2] =	stream.indirect.scatter.add.f32 [tilespmem:s20], [sflag:$0x1], $0x1, s0, s19, $0xb8;
	[tilespmem:$0xA880] =	vst v63  }
0xbc: {  	s0 =	sadd.s32 $0x4200, s30  }
0xbd: {  	[spmem:s2] =	stream.indirect.scatter.add.f32 [tilespmem:s20], [sflag:$0x1], $0x1, s0, s19, $0xb8;
	[tilespmem:$0xA880] =	vst v63  }
0xbe: {  	s0 =	sadd.s32 $0x4280, s30  }
0xbf: {  	[spmem:s2] =	stream.indirect.scatter.add.f32 [tilespmem:s20], [sflag:$0x1], $0x1, s0, s19, $0xb8;
	[tilespmem:$0xA880] =	vst v63  }
0xc0: {  	s0 =	sadd.s32 $0x4300, s30  }
0xc1: {  	[spmem:s2] =	stream.indirect.scatter.add.f32 [tilespmem:s20], [sflag:$0x1], $0x1, s0, s19, $0xb8;
	[tilespmem:$0xA880] =	vst v63  }
0xc2: {  	s0 =	sadd.s32 $0x4380, s30  }
0xc3: {  	[spmem:s2] =	stream.indirect.scatter.add.f32 [tilespmem:s20], [sflag:$0x1], $0x1, s0, s19, $0xb8;
	[tilespmem:$0xA880] =	vst v63  }
0xc4: {  	_ =	swait.ge [sflag:s21], $0x80  }
0xc5: {  	[sflag:s21] =	ssyncset.done $0x0  }
0xc6: {  	[sflag:s21] =	ssyncadd.s32 $0xFFFFFF80  }
0xc7: {  	_ =	swait.ge [sflag:s21], $0x80  }
0xc8: {  	[sflag:s21] =	ssyncset.done $0x0  }
0xc9: {  	[sflag:s21] =	ssyncadd.s32 $0xFFFFFF80  }
0xca: {  	_ =	swait.ge [sflag:s21], $0x80  }
0xcb: {  	[sflag:s21] =	ssyncset.done $0x0  }
0xcc: {  	[sflag:s21] =	ssyncadd.s32 $0xFFFFFF80  }
0xcd: {  	_ =	swait.ge [sflag:s21], $0x80  }
0xce: {  	[sflag:s21] =	ssyncset.done $0x0  }
0xcf: {  	[sflag:s21] =	ssyncadd.s32 $0xFFFFFF80  }
0xd0: {  	_ =	swait.ge [sflag:s21], $0x80  }
0xd1: {  	[sflag:s21] =	ssyncset.done $0x0  }
0xd2: {  	[sflag:s21] =	ssyncadd.s32 $0xFFFFFF80  }
0xd3: {  	_ =	swait.ge [sflag:s21], $0x80  }
0xd4: {  	[sflag:s21] =	ssyncset.done $0x0  }
0xd5: {  	[sflag:s21] =	ssyncadd.s32 $0xFFFFFF80  }
.Ltmp2:
0xd6: {  	_ =	swait.ge [sflag:s21], $0x80;
	(pc) =	sbr.rel @p0 .LBB2_6-.Ltmp2, $4  }
0xd7: {  	[sflag:s21] =	ssyncset.done $0x0  }
0xd8: {  	[sflag:s21] =	ssyncadd.s32 $0xFFFFFF80  }
0xd9: {  	_ =	swait.ge [sflag:s21], $0x80  }
0xda: {  	s31 =	smov.u32 s28;
	s30 =	sshra.s32 s29, $0x2;
	[sflag:s21] =	ssyncset.done $0x0  }
0xdb: {  	s0 =	sadd.s32 $0x4000, s30;
	[sflag:s21] =	ssyncadd.s32 $0xFFFFFF80  }
0xdc: {  	[spmem:s2] =	stream.indirect.scatter.add.f32 [tilespmem:s20], [sflag:$0x1], $0x1, s0, s19, $0xb8;
	[tilespmem:$0xA880] =	vst v63  }
0xdd: {  	s31 =	sadd.s32 $0x4080, s30  }
0xde: {  	[spmem:s2] =	stream.indirect.scatter.add.f32 [tilespmem:s20], [sflag:$0x1], $0x1, s31, s19, $0xb8;
	[tilespmem:$0xA880] =	vst v63  }
0xdf: {  	s28 =	sadd.s32 $0x4100, s30  }
0xe0: {  	[spmem:s2] =	stream.indirect.scatter.add.f32 [tilespmem:s20], [sflag:$0x1], $0x1, s28, s19, $0xb8;
	[tilespmem:$0xA880] =	vst v63  }
0xe1: {  	s29 =	sadd.s32 $0x4180, s30  }
0xe2: {  	[spmem:s2] =	stream.indirect.scatter.add.f32 [tilespmem:s20], [sflag:$0x1], $0x1, s29, s19, $0xb8;
	[tilespmem:$0xA880] =	vst v63  }
0xe3: {  	s31 =	sadd.s32 $0x4200, s30  }
0xe4: {  	[spmem:s2] =	stream.indirect.scatter.add.f32 [tilespmem:s20], [sflag:$0x1], $0x1, s31, s19, $0xb8;
	[tilespmem:$0xA880] =	vst v63  }
0xe5: {  	s28 =	sadd.s32 $0x4280, s30  }
0xe6: {  	[spmem:s2] =	stream.indirect.scatter.add.f32 [tilespmem:s20], [sflag:$0x1], $0x1, s28, s19, $0xb8;
	[tilespmem:$0xA880] =	vst v63  }
0xe7: {  	s29 =	sadd.s32 $0x4300, s30  }
0xe8: {  	[spmem:s2] =	stream.indirect.scatter.add.f32 [tilespmem:s20], [sflag:$0x1], $0x1, s29, s19, $0xb8;
	[tilespmem:$0xA880] =	vst v63  }
0xe9: {  	s31 =	sadd.s32 $0x4380, s30  }
0xea: {  	[spmem:s2] =	stream.indirect.scatter.add.f32 [tilespmem:s20], [sflag:$0x1], $0x1, s31, s19, $0xb8;
	[tilespmem:$0xA880] =	vst v63  }
0xeb: {  	_ =	swait.ge [sflag:s21], $0x80  }
0xec: {  	[sflag:s21] =	ssyncset.done $0x0  }
0xed: {  	[sflag:s21] =	ssyncadd.s32 $0xFFFFFF80  }
0xee: {  	_ =	swait.ge [sflag:s21], $0x80  }
0xef: {  	[sflag:s21] =	ssyncset.done $0x0  }
0xf0: {  	[sflag:s21] =	ssyncadd.s32 $0xFFFFFF80  }
0xf1: {  	_ =	swait.ge [sflag:s21], $0x80  }
0xf2: {  	[sflag:s21] =	ssyncset.done $0x0  }
0xf3: {  	[sflag:s21] =	ssyncadd.s32 $0xFFFFFF80  }
0xf4: {  	_ =	swait.ge [sflag:s21], $0x80  }
0xf5: {  	[sflag:s21] =	ssyncset.done $0x0  }
0xf6: {  	[sflag:s21] =	ssyncadd.s32 $0xFFFFFF80  }
0xf7: {  	_ =	swait.ge [sflag:s21], $0x80  }
0xf8: {  	[sflag:s21] =	ssyncset.done $0x0  }
0xf9: {  	[sflag:s21] =	ssyncadd.s32 $0xFFFFFF80  }
0xfa: {  	_ =	swait.ge [sflag:s21], $0x80  }
0xfb: {  	[sflag:s21] =	ssyncset.done $0x0  }
0xfc: {  	[sflag:s21] =	ssyncadd.s32 $0xFFFFFF80  }
0xfd: {  	_ =	swait.ge [sflag:s21], $0x80  }
0xfe: {  	[sflag:s21] =	ssyncset.done $0x0  }
0xff: {  	[sflag:s21] =	ssyncadd.s32 $0xFFFFFF80  }
0x100: {  	_ =	swait.ge [sflag:s21], $0x80  }
0x101: {  	s26 =	sadd.s32 $0x1, s26;
	[sflag:s21] =	ssyncset.done $0x0  }
0x102: {  	p0 =	sne.s32 s26, s15;
	[sflag:s21] =	ssyncadd.s32 $0xFFFFFF80  }
.Ltmp3:
0x103: {  	[bflag:$0x0] =	sbarrier.arrive $0xFFFF;
	(pc) =	sbr.rel @p0 .LBB2_1-.Ltmp3, $4  }
0x104: {  	[hbm:s14@s24], [sflag:s22] =	dma.strided [spmem:s23@s25], $0x800, s21, $0x10   }
0x105: {  	_ =	swait.ge [sflag:s16], $0x800  }
0x106: {  	[sflag:s16] =	ssyncset.done $0x0  }
0x107: {  	[sflag:s16] =	ssyncadd.s32 $0xFFFFF800  }
0x108: {  	_ =	sfence.sel $0x180000  }
0x109: {  	[bflag:$0x0] =	sbarrier.arrive $0xFFFF  }
0x10a: {  	_ =	strace $0x90000047  }
0x10b: {  	[bflag:$0x2] =	sbarrier.arrive $0xFFFF  }
0x10c: {  	p0 =	sne.s32 s1, $0x0;
	s0 =	rddreg [dreg:$0x2]  }
0x10d: {  	s0 =	sadd.s32 @!p0 $0x100000, s0  }
0x10e: {  	[sflag:s0] =	ssyncadd.tile.s32 @!p0 $0x1;
	_ =	shalt  }
.Lfunc_end2:
_tile_overlayer_lowered:
.L_overlay_start_2:
0x10f: {  	(tag) =	ssettag $0x2  }
0x110: {  	s0 =	rddreg [dreg:$0x0];
	s2 =	stileid.u32  }
0x111: {  	s1 =	rddreg [dreg:$0x1];
	p0 =	sne.s32 s2, $0x0  }
0x112: {  	s3 =	rddreg [dreg:$0x2];
	[bflag:$0x3] =	sbarrier.arrive $0xFFFF;
	s2 =	simm.s32 @!p0 $0x1C02  }
0x113: {  	[timem:s3], [sflag:s2] =	dma.local @!p0 [hbm:s0], s1  }
0x114: {  	s0 =	simm.s32 @!p0 $0x2  }
0x115: {  	_ =	swait.ge @!p0 [sflag:s0], s1  }
0x116: {  	s1 =	ssub.s32 @!p0 $0x0, s1;
	[sflag:s0] =	ssyncset.done @!p0 $0x0  }
0x117: {  	[sflag:s0] =	ssyncadd.s32 @!p0 s1  }
0x118: {  	[bflag:$0x3] =	sbarrier.arrive $0xFFFF  }
0x119: {  	_ =	shalt  }

</sc_bundles>
